<compile_context>
chip_gen: v7x
topology: tpu7x:2x2x1
jax: 0.10.2.dev20260603
libtpu: 0.0.44.dev20260713+nightly
codegen_flags: <defaults>
</compile_context>

<pallas_src>
import jax
import jax.numpy as jnp
from jax import lax
from jax.experimental import pallas as pl
from jax.experimental.pallas import tpu as pltpu
from jax.experimental.pallas import tpu_sc as plsc

NC = 2
NS = 16
NW = NC * NS
CHUNK = 48
NSLOT = 3


def _make_agg(chunks, n_pad, with_deg):
  rps = n_pad // NS
  assert rps % 128 == 0
  mesh = plsc.VectorSubcoreMesh(core_axis_name="c", subcore_axis_name="s")

  out_type = [jax.ShapeDtypeStruct((NC, n_pad, 128), jnp.float32)]
  scratch = [
      pltpu.VMEM((chunks, CHUNK), jnp.int32),
      pltpu.VMEM((chunks, CHUNK), jnp.int32),
      pltpu.VMEM((NSLOT * CHUNK, 128), jnp.float32),
      pltpu.VMEM_SHARED((n_pad, 128), jnp.float32),
  ] + [pltpu.SemaphoreType.DMA] * (2 * NSLOT)
  if with_deg:
    out_type.append(jax.ShapeDtypeStruct((NW, n_pad), jnp.float32))
    scratch.append(pltpu.VMEM((n_pad,), jnp.float32))

  def body(*refs):
    if with_deg:
      (feat, srcp, dstp, p_out, deg_out,
       src_v, dst_v, buf0, acc_sh, *rest) = refs
    else:
      (feat, srcp, dstp, p_out,
       src_v, dst_v, buf0, acc_sh, *rest) = refs
    gs = rest[:NSLOT]
    ss = rest[NSLOT:2 * NSLOT]
    if with_deg:
      deg_v = rest[2 * NSLOT]
    slots = [buf0.at[pl.ds(b * CHUNK, CHUNK)] for b in range(NSLOT)]

    c = lax.axis_index("c")
    s = lax.axis_index("s")
    wid = c * NS + s
    r0 = s * rps

    pltpu.sync_copy(srcp.at[wid], src_v)
    pltpu.sync_copy(dstp.at[wid], dst_v)

    z16 = jnp.zeros((16,), jnp.float32)

    bufrows = NSLOT * CHUNK

    def zrow(i, carry):
      for k in range(8):
        buf0[i, pl.ds(k * 16, 16)] = z16
      return carry

    lax.fori_loop(0, bufrows, zrow, 0)
    zrows = min(bufrows, 128)
    for i in range(rps // zrows):
      pltpu.sync_copy(buf0.at[pl.ds(0, zrows)],
                      acc_sh.at[pl.ds(r0 + i * zrows, zrows)])

    if with_deg:
      def dzrow(i, carry):
        deg_v[pl.ds(i * 16, 16)] = z16
        return carry

      lax.fori_loop(0, n_pad // 16, dzrow, 0)

    plsc.subcore_barrier()

    one16 = jnp.ones((16,), jnp.float32)

    def gstart(j, b):
      pltpu.async_copy(feat.at[src_v.at[j]], slots[b], gs[b])

    def gwait(j, b):
      pltpu.make_async_copy(feat.at[src_v.at[j]], slots[b], gs[b]).wait()

    def sstart(j, b):
      pltpu.async_copy(slots[b], acc_sh.at[dst_v.at[j]], ss[b], add=True)

    def swait(j, b):
      pltpu.make_async_copy(slots[b], acc_sh.at[dst_v.at[j]], ss[b]).wait()

    def deg_hist(j):
      if with_deg:
        for k in range(CHUNK // 16):
          idx = dst_v[j, pl.ds(k * 16, 16)]
          plsc.addupdate_scatter(deg_v, [idx], one16)

    gstart(0, 0)
    gstart(1, 1)

    def step(i, carry):
      j0 = NSLOT * i
      for b in range(NSLOT):
        j = j0 + b
        gwait(j, b)
        sstart(j, b)
        deg_hist(j)
        b2 = (b + 2) % NSLOT
        jprev = j + 2 - NSLOT

        @pl.when(jprev >= 0)
        def _():
          swait(jprev, b2)

        @pl.when(j + 2 < chunks)
        def _():
          gstart(j + 2, b2)

      return carry

    lax.fori_loop(0, chunks // NSLOT, step, 0)
    for jt in range(chunks - NSLOT + 2, chunks):
      swait(jt, jt % NSLOT)

    plsc.subcore_barrier()

    pltpu.sync_copy(acc_sh.at[pl.ds(r0, rps)], p_out.at[c, pl.ds(r0, rps)])
    if with_deg:
      pltpu.sync_copy(deg_v, deg_out.at[wid])

  return pl.kernel(body, out_type=tuple(out_type), mesh=mesh,
                   scratch_types=tuple(scratch),
                   compiler_params=pltpu.CompilerParams(
                       use_tc_tiling_on_sc=False,
                       needs_layout_passes=False))


def _mm_body(p_ref, dg_ref, w1_ref, b1_ref, w2_ref, o_ref):
  deg = jnp.maximum(jnp.sum(dg_ref[...], axis=0), 1.0)
  inv = (1.0 / deg)[:, None]
  agg = (p_ref[0] + p_ref[1]) * inv
  h = jnp.dot(agg, w1_ref[...], preferred_element_type=jnp.float32)
  h = jnp.maximum(h + b1_ref[...], 0.0)
  o_ref[...] = jnp.dot(h, w2_ref[...], preferred_element_type=jnp.float32)


def _fin_body(q_ref, dg_ref, b2_ref, o_ref):
  deg = jnp.maximum(jnp.sum(dg_ref[...], axis=0), 1.0)
  inv = (1.0 / deg)[:, None]
  o_ref[...] = (q_ref[0] + q_ref[1]) * inv + b2_ref[...]


def kernel(x, edge_index, W1, b1, W2, b2):
  n = x.shape[0]
  e = edge_index.shape[1]
  n_pad = pl.cdiv(n, NS * 128) * NS * 128
  if n_pad == n:
    n_pad += NS * 128
  chunks = pl.cdiv(pl.cdiv(e, NW * CHUNK), NSLOT) * NSLOT
  e_pad = NW * CHUNK * chunks

  src = edge_index[0]
  dst = edge_index[1]
  pidx = jnp.arange(e_pad - e, dtype=jnp.int32)
  pad_src = pidx % n
  pad_dst = n + pidx % (n_pad - n)
  srcp = jnp.concatenate([src, pad_src]).reshape(NW, chunks, CHUNK)
  dstp = jnp.concatenate([dst, pad_dst]).reshape(NW, chunks, CHUNK)

  agg_deg = _make_agg(chunks, n_pad, with_deg=True)
  agg = _make_agg(chunks, n_pad, with_deg=False)

  p, degw = agg_deg(x, srcp, dstp)

  rb = 1280
  grid = (n_pad // rb,)
  h2 = pl.pallas_call(
      _mm_body,
      grid=grid,
      in_specs=[
          pl.BlockSpec((NC, rb, 128), lambda i: (0, i, 0)),
          pl.BlockSpec((NW, rb), lambda i: (0, i)),
          pl.BlockSpec((128, 128), lambda i: (0, 0)),
          pl.BlockSpec((1, 128), lambda i: (0, 0)),
          pl.BlockSpec((128, 128), lambda i: (0, 0)),
      ],
      out_specs=pl.BlockSpec((rb, 128), lambda i: (i, 0)),
      out_shape=jax.ShapeDtypeStruct((n_pad, 128), jnp.float32),
  )(p, degw, W1, b1.reshape(1, 128), W2)

  (q,) = agg(h2, srcp, dstp)

  out = pl.pallas_call(
      _fin_body,
      grid=grid,
      in_specs=[
          pl.BlockSpec((NC, rb, 128), lambda i: (0, i, 0)),
          pl.BlockSpec((NW, rb), lambda i: (0, i)),
          pl.BlockSpec((1, 128), lambda i: (0, 0)),
      ],
      out_specs=pl.BlockSpec((rb, 128), lambda i: (i, 0)),
      out_shape=jax.ShapeDtypeStruct((n_pad, 128), jnp.float32),
  )(q, degw, b2.reshape(1, 128))

  return out[:n]

# --- scband reference (transcript-rebuilt; emitter-appended) ---
"""Pipeline reference for scband-encoder-7791070675513 (READ-ONLY COPY).

The authoritative reference and input builder live on the scoring server;
editing this copy changes nothing except your own understanding.
"""

import jax, jax.numpy as jnp
import numpy as np

N = 10000
E = 320000
D = 128
H = 128


def setup_inputs(seed: int = 0) -> dict:
    key = jax.random.key(seed)
    k1, k2, k3, k4 = jax.random.split(key, 4)
    x = jax.random.normal(k1, (N, D), dtype=jnp.float32)
    edge_index = jax.random.randint(k2, (2, E), 0, N, dtype=jnp.int32)
    # GCN encoder params: n_layers=2 -> two linear layers (hidden + output, both width n_hidden)
    W1 = jax.random.normal(k3, (D, H), dtype=jnp.float32) * (1.0 / np.sqrt(D))
    b1 = jnp.zeros((H,), dtype=jnp.float32)
    W2 = jax.random.normal(k4, (H, H), dtype=jnp.float32) * (1.0 / np.sqrt(H))
    b2 = jnp.zeros((H,), dtype=jnp.float32)
    return {"x": x, "edge_index": edge_index, "W1": W1, "b1": b1, "W2": W2, "b2": b2}


def reference(x, edge_index, W1, b1, W2, b2):
    # Encoder.forward with corrupt=False, infer=False: features = MiniBatchGCNSampling(nf)
    # GCN sampling layer: h_dst = act(Linear(mean_{src in N(dst)} h_src))
    src = edge_index[0]
    dst = edge_index[1]
    ones = jnp.ones((E,), dtype=jnp.float32)
    deg = jax.ops.segment_sum(ones, dst, num_segments=N)
    deg = jnp.maximum(deg, 1.0)[:, None]
    # layer 1 (hidden, relu activation)
    msg = jnp.take(x, src, axis=0)
    agg = jax.ops.segment_sum(msg, dst, num_segments=N) / deg
    h = jax.nn.relu(agg @ W1 + b1)
    # layer 2 (output projection to n_classes=n_hidden, no activation)
    msg = jnp.take(h, src, axis=0)
    agg = jax.ops.segment_sum(msg, dst, num_segments=N) / deg
    out = agg @ W2 + b2
    return out

if __name__ == "__main__":
    import jax
    _d = setup_inputs()
    print(jax.jit(kernel)(*tuple(_d.values())))

</pallas_src>

<mosaic_0001>
#map = affine_map<(d0, d1) -> (0, 0)>
#map1 = affine_map<(d0, d1) -> (0, 0, 0)>
module attributes {stable_mosaic.version = 14 : i64} {
  func.func @body(%arg0: i32, %arg1: i32, %arg2: memref<10000x128xf32, #tpu.memory_space<hbm>>, %arg3: memref<32x210x48xi32, #tpu.memory_space<hbm>>, %arg4: memref<32x210x48xi32, #tpu.memory_space<hbm>>, %arg5: memref<2x10240x128xf32, #tpu.memory_space<hbm>>, %arg6: memref<32x10240xf32, #tpu.memory_space<hbm>>, %arg7: memref<210x48xi32, #tpu.memory_space<vmem>>, %arg8: memref<210x48xi32, #tpu.memory_space<vmem>>, %arg9: memref<144x128xf32, #tpu.memory_space<vmem>>, %arg10: memref<10240x128xf32, #tpu.memory_space<vmem_shared>>, %arg11: memref<!tpu.dma_semaphore, #tpu.memory_space<semaphore_mem>>, %arg12: memref<!tpu.dma_semaphore, #tpu.memory_space<semaphore_mem>>, %arg13: memref<!tpu.dma_semaphore, #tpu.memory_space<semaphore_mem>>, %arg14: memref<!tpu.dma_semaphore, #tpu.memory_space<semaphore_mem>>, %arg15: memref<!tpu.dma_semaphore, #tpu.memory_space<semaphore_mem>>, %arg16: memref<!tpu.dma_semaphore, #tpu.memory_space<semaphore_mem>>, %arg17: memref<10240xf32, #tpu.memory_space<vmem>>) attributes {dimension_semantics = [#tpu.dimension_semantics<core_parallel>, #tpu.dimension_semantics<subcore_parallel>], iteration_bounds = array<i64: 2, 16>, scalar_prefetch = 0 : i64, scratch_operands = 11 : i64, tpu.core_type = #tpu.core_type<sc_vector_subcore>, window_params = [{transform_indices = #map}, {transform_indices = #map1}, {transform_indices = #map1}, {transform_indices = #map1}, {transform_indices = #map}]} {
    %mul3A = arith.constant 16 : i32
    %mul3A_0 = arith.muli %arg0, %mul3A : i32
    %add3A = arith.addi %mul3A_0, %arg1 : i32
    %mul3A_1 = arith.constant 640 : i32
    %mul3A_2 = arith.muli %arg1, %mul3A_1 : i32
    "tpu.region"() ({
      %run_scoped3A = tpu.sem_alloc : memref<!tpu.dma_semaphore, #tpu.memory_space<semaphore_mem>>
      %dma_start3A_62 = arith.constant 0 : i32
      %dma_start3A_63 = arith.constant 0 : i32
      %dma_start3A_64 = tpu.memref_slice %arg3[%add3A, %dma_start3A_62, %dma_start3A_63] : memref<32x210x48xi32, #tpu.memory_space<hbm>> -> memref<1x210x48xi32, #tpu.memory_space<hbm>>
      %dma_start3A_65 = tpu.memref_squeeze %dma_start3A_64 : memref<1x210x48xi32, #tpu.memory_space<hbm>> -> memref<210x48xi32, #tpu.memory_space<hbm>>
      %dma_start3A_66 = arith.constant 0 : i32
      %dma_start3A_67 = arith.constant 0 : i32
      %dma_start3A_68 = tpu.memref_slice %arg3[%add3A, %dma_start3A_66, %dma_start3A_67] : memref<32x210x48xi32, #tpu.memory_space<hbm>> -> memref<1x210x48xi32, #tpu.memory_space<hbm>>
      %dma_start3A_69 = tpu.memref_squeeze %dma_start3A_68 : memref<1x210x48xi32, #tpu.memory_space<hbm>> -> memref<210x48xi32, #tpu.memory_space<hbm>>
      tpu.enqueue_dma source(%dma_start3A_69 : memref<210x48xi32, #tpu.memory_space<hbm>>) target(%arg7 : memref<210x48xi32, #tpu.memory_space<vmem>>) target_semaphore(%run_scoped3A : memref<!tpu.dma_semaphore, #tpu.memory_space<semaphore_mem>>)
      %dma_wait3A_70 = arith.constant 0 : i32
      %dma_wait3A_71 = arith.constant 0 : i32
      %dma_wait3A_72 = tpu.memref_slice %arg3[%add3A, %dma_wait3A_70, %dma_wait3A_71] : memref<32x210x48xi32, #tpu.memory_space<hbm>> -> memref<1x210x48xi32, #tpu.memory_space<hbm>>
      %dma_wait3A_73 = tpu.memref_squeeze %dma_wait3A_72 : memref<1x210x48xi32, #tpu.memory_space<hbm>> -> memref<210x48xi32, #tpu.memory_space<hbm>>
      %dma_wait3A_74 = arith.constant 0 : i32
      %dma_wait3A_75 = arith.constant 0 : i32
      %dma_wait3A_76 = tpu.memref_slice %arg3[%add3A, %dma_wait3A_74, %dma_wait3A_75] : memref<32x210x48xi32, #tpu.memory_space<hbm>> -> memref<1x210x48xi32, #tpu.memory_space<hbm>>
      %dma_wait3A_77 = tpu.memref_squeeze %dma_wait3A_76 : memref<1x210x48xi32, #tpu.memory_space<hbm>> -> memref<210x48xi32, #tpu.memory_space<hbm>>
      tpu.wait_dma2 semaphore(%run_scoped3A : memref<!tpu.dma_semaphore, #tpu.memory_space<semaphore_mem>>) src(%dma_wait3A_77 : memref<210x48xi32, #tpu.memory_space<hbm>>) dst(%arg7 : memref<210x48xi32, #tpu.memory_space<vmem>>)
      tpu.yield
    }) : () -> ()
    "tpu.region"() ({
      %run_scoped3A = tpu.sem_alloc : memref<!tpu.dma_semaphore, #tpu.memory_space<semaphore_mem>>
      %dma_start3A_62 = arith.constant 0 : i32
      %dma_start3A_63 = arith.constant 0 : i32
      %dma_start3A_64 = tpu.memref_slice %arg4[%add3A, %dma_start3A_62, %dma_start3A_63] : memref<32x210x48xi32, #tpu.memory_space<hbm>> -> memref<1x210x48xi32, #tpu.memory_space<hbm>>
      %dma_start3A_65 = tpu.memref_squeeze %dma_start3A_64 : memref<1x210x48xi32, #tpu.memory_space<hbm>> -> memref<210x48xi32, #tpu.memory_space<hbm>>
      %dma_start3A_66 = arith.constant 0 : i32
      %dma_start3A_67 = arith.constant 0 : i32
      %dma_start3A_68 = tpu.memref_slice %arg4[%add3A, %dma_start3A_66, %dma_start3A_67] : memref<32x210x48xi32, #tpu.memory_space<hbm>> -> memref<1x210x48xi32, #tpu.memory_space<hbm>>
      %dma_start3A_69 = tpu.memref_squeeze %dma_start3A_68 : memref<1x210x48xi32, #tpu.memory_space<hbm>> -> memref<210x48xi32, #tpu.memory_space<hbm>>
      tpu.enqueue_dma source(%dma_start3A_69 : memref<210x48xi32, #tpu.memory_space<hbm>>) target(%arg8 : memref<210x48xi32, #tpu.memory_space<vmem>>) target_semaphore(%run_scoped3A : memref<!tpu.dma_semaphore, #tpu.memory_space<semaphore_mem>>)
      %dma_wait3A_70 = arith.constant 0 : i32
      %dma_wait3A_71 = arith.constant 0 : i32
      %dma_wait3A_72 = tpu.memref_slice %arg4[%add3A, %dma_wait3A_70, %dma_wait3A_71] : memref<32x210x48xi32, #tpu.memory_space<hbm>> -> memref<1x210x48xi32, #tpu.memory_space<hbm>>
      %dma_wait3A_73 = tpu.memref_squeeze %dma_wait3A_72 : memref<1x210x48xi32, #tpu.memory_space<hbm>> -> memref<210x48xi32, #tpu.memory_space<hbm>>
      %dma_wait3A_74 = arith.constant 0 : i32
      %dma_wait3A_75 = arith.constant 0 : i32
      %dma_wait3A_76 = tpu.memref_slice %arg4[%add3A, %dma_wait3A_74, %dma_wait3A_75] : memref<32x210x48xi32, #tpu.memory_space<hbm>> -> memref<1x210x48xi32, #tpu.memory_space<hbm>>
      %dma_wait3A_77 = tpu.memref_squeeze %dma_wait3A_76 : memref<1x210x48xi32, #tpu.memory_space<hbm>> -> memref<210x48xi32, #tpu.memory_space<hbm>>
      tpu.wait_dma2 semaphore(%run_scoped3A : memref<!tpu.dma_semaphore, #tpu.memory_space<semaphore_mem>>) src(%dma_wait3A_77 : memref<210x48xi32, #tpu.memory_space<hbm>>) dst(%arg8 : memref<210x48xi32, #tpu.memory_space<vmem>>)
      tpu.yield
    }) : () -> ()
    %broadcast_in_dim3A = arith.constant 0.000000e+00 : f32
    %broadcast_in_dim3A_3 = vector.broadcast %broadcast_in_dim3A : f32 to vector<16xf32>
    %scan3A = arith.constant 0 : i32
    %scan3A_4 = arith.constant 0 : i32
    %scan3A_5 = arith.constant 144 : i32
    %scan3A_6 = arith.addi %scan3A_4, %scan3A_5 : i32
    %scan3A_7 = arith.constant 1 : i32
    scf.for %scan3A_62 = %scan3A_4 to %scan3A_6 step %scan3A_7  : i32 {
      %swap3A = arith.index_cast %scan3A_62 : i32 to index
      %swap3A_63 = arith.constant 0 : index
      %swap3A_64 = tpu.vector_load %arg9[%swap3A, %swap3A_63] {strides = array<i32>} : memref<144x128xf32, #tpu.memory_space<vmem>>, vector<16xf32>,
      tpu.vector_store %arg9[%swap3A, %swap3A_63], %broadcast_in_dim3A_3 {strides = array<i32>} : memref<144x128xf32, #tpu.memory_space<vmem>>, vector<16xf32>,
      %swap3A_65 = arith.index_cast %scan3A_62 : i32 to index
      %swap3A_66 = arith.constant 16 : index
      %swap3A_67 = tpu.vector_load %arg9[%swap3A_65, %swap3A_66] {strides = array<i32>} : memref<144x128xf32, #tpu.memory_space<vmem>>, vector<16xf32>,
      tpu.vector_store %arg9[%swap3A_65, %swap3A_66], %broadcast_in_dim3A_3 {strides = array<i32>} : memref<144x128xf32, #tpu.memory_space<vmem>>, vector<16xf32>,
      %swap3A_68 = arith.index_cast %scan3A_62 : i32 to index
      %swap3A_69 = arith.constant 32 : index
      %swap3A_70 = tpu.vector_load %arg9[%swap3A_68, %swap3A_69] {strides = array<i32>} : memref<144x128xf32, #tpu.memory_space<vmem>>, vector<16xf32>,
      tpu.vector_store %arg9[%swap3A_68, %swap3A_69], %broadcast_in_dim3A_3 {strides = array<i32>} : memref<144x128xf32, #tpu.memory_space<vmem>>, vector<16xf32>,
      %swap3A_71 = arith.index_cast %scan3A_62 : i32 to index
      %swap3A_72 = arith.constant 48 : index
      %swap3A_73 = tpu.vector_load %arg9[%swap3A_71, %swap3A_72] {strides = array<i32>} : memref<144x128xf32, #tpu.memory_space<vmem>>, vector<16xf32>,
      tpu.vector_store %arg9[%swap3A_71, %swap3A_72], %broadcast_in_dim3A_3 {strides = array<i32>} : memref<144x128xf32, #tpu.memory_space<vmem>>, vector<16xf32>,
      %swap3A_74 = arith.index_cast %scan3A_62 : i32 to index
      %swap3A_75 = arith.constant 64 : index
      %swap3A_76 = tpu.vector_load %arg9[%swap3A_74, %swap3A_75] {strides = array<i32>} : memref<144x128xf32, #tpu.memory_space<vmem>>, vector<16xf32>,
      tpu.vector_store %arg9[%swap3A_74, %swap3A_75], %broadcast_in_dim3A_3 {strides = array<i32>} : memref<144x128xf32, #tpu.memory_space<vmem>>, vector<16xf32>,
      %swap3A_77 = arith.index_cast %scan3A_62 : i32 to index
      %swap3A_78 = arith.constant 80 : index
      %swap3A_79 = tpu.vector_load %arg9[%swap3A_77, %swap3A_78] {strides = array<i32>} : memref<144x128xf32, #tpu.memory_space<vmem>>, vector<16xf32>,
      tpu.vector_store %arg9[%swap3A_77, %swap3A_78], %broadcast_in_dim3A_3 {strides = array<i32>} : memref<144x128xf32, #tpu.memory_space<vmem>>, vector<16xf32>,
      %swap3A_80 = arith.index_cast %scan3A_62 : i32 to index
      %swap3A_81 = arith.constant 96 : index
      %swap3A_82 = tpu.vector_load %arg9[%swap3A_80, %swap3A_81] {strides = array<i32>} : memref<144x128xf32, #tpu.memory_space<vmem>>, vector<16xf32>,
      tpu.vector_store %arg9[%swap3A_80, %swap3A_81], %broadcast_in_dim3A_3 {strides = array<i32>} : memref<144x128xf32, #tpu.memory_space<vmem>>, vector<16xf32>,
      %swap3A_83 = arith.index_cast %scan3A_62 : i32 to index
      %swap3A_84 = arith.constant 112 : index
      %swap3A_85 = tpu.vector_load %arg9[%swap3A_83, %swap3A_84] {strides = array<i32>} : memref<144x128xf32, #tpu.memory_space<vmem>>, vector<16xf32>,
      tpu.vector_store %arg9[%swap3A_83, %swap3A_84], %broadcast_in_dim3A_3 {strides = array<i32>} : memref<144x128xf32, #tpu.memory_space<vmem>>, vector<16xf32>,
    }
    %scan3A_8 = arith.constant 144 : i32
    %add3A_9 = arith.constant 0 : i32
    %add3A_10 = arith.addi %mul3A_2, %add3A_9 : i32
    "tpu.region"() ({
      %run_scoped3A = tpu.sem_alloc : memref<!tpu.dma_semaphore, #tpu.memory_space<semaphore_mem>>
      %dma_start3A_62 = arith.constant 0 : i32
      %dma_start3A_63 = arith.constant 0 : i32
      %dma_start3A_64 = tpu.memref_slice %arg9[%dma_start3A_62, %dma_start3A_63] : memref<144x128xf32, #tpu.memory_space<vmem>> -> memref<128x128xf32, #tpu.memory_space<vmem>>
      %dma_start3A_65 = arith.constant 0 : i32
      %dma_start3A_66 = tpu.memref_slice %arg10[%add3A_10, %dma_start3A_65] : memref<10240x128xf32, #tpu.memory_space<vmem_shared>> -> memref<128x128xf32, #tpu.memory_space<vmem_shared>>
      %dma_start3A_67 = arith.constant 0 : i32
      %dma_start3A_68 = tpu.memref_slice %arg10[%add3A_10, %dma_start3A_67] : memref<10240x128xf32, #tpu.memory_space<vmem_shared>> -> memref<128x128xf32, #tpu.memory_space<vmem_shared>>
      %dma_start3A_69 = arith.constant 0 : i32
      %dma_start3A_70 = arith.constant 0 : i32
      %dma_start3A_71 = tpu.memref_slice %arg9[%dma_start3A_69, %dma_start3A_70] : memref<144x128xf32, #tpu.memory_space<vmem>> -> memref<128x128xf32, #tpu.memory_space<vmem>>
      tpu.enqueue_dma source(%dma_start3A_71 : memref<128x128xf32, #tpu.memory_space<vmem>>) target(%dma_start3A_68 : memref<128x128xf32, #tpu.memory_space<vmem_shared>>) target_semaphore(%run_scoped3A : memref<!tpu.dma_semaphore, #tpu.memory_space<semaphore_mem>>)
      %dma_wait3A_72 = arith.constant 0 : i32
      %dma_wait3A_73 = arith.constant 0 : i32
      %dma_wait3A_74 = tpu.memref_slice %arg9[%dma_wait3A_72, %dma_wait3A_73] : memref<144x128xf32, #tpu.memory_space<vmem>> -> memref<128x128xf32, #tpu.memory_space<vmem>>
      %dma_wait3A_75 = arith.constant 0 : i32
      %dma_wait3A_76 = tpu.memref_slice %arg10[%add3A_10, %dma_wait3A_75] : memref<10240x128xf32, #tpu.memory_space<vmem_shared>> -> memref<128x128xf32, #tpu.memory_space<vmem_shared>>
      %dma_wait3A_77 = arith.constant 0 : i32
      %dma_wait3A_78 = tpu.memref_slice %arg10[%add3A_10, %dma_wait3A_77] : memref<10240x128xf32, #tpu.memory_space<vmem_shared>> -> memref<128x128xf32, #tpu.memory_space<vmem_shared>>
      %dma_wait3A_79 = arith.constant 0 : i32
      %dma_wait3A_80 = arith.constant 0 : i32
      %dma_wait3A_81 = tpu.memref_slice %arg9[%dma_wait3A_79, %dma_wait3A_80] : memref<144x128xf32, #tpu.memory_space<vmem>> -> memref<128x128xf32, #tpu.memory_space<vmem>>
      tpu.wait_dma2 semaphore(%run_scoped3A : memref<!tpu.dma_semaphore, #tpu.memory_space<semaphore_mem>>) src(%dma_wait3A_81 : memref<128x128xf32, #tpu.memory_space<vmem>>) dst(%dma_wait3A_78 : memref<128x128xf32, #tpu.memory_space<vmem_shared>>)
      tpu.yield
    }) : () -> ()
    %add3A_11 = arith.constant 128 : i32
    %add3A_12 = arith.addi %mul3A_2, %add3A_11 : i32
    "tpu.region"() ({
      %run_scoped3A = tpu.sem_alloc : memref<!tpu.dma_semaphore, #tpu.memory_space<semaphore_mem>>
      %dma_start3A_62 = arith.constant 0 : i32
      %dma_start3A_63 = arith.constant 0 : i32
      %dma_start3A_64 = tpu.memref_slice %arg9[%dma_start3A_62, %dma_start3A_63] : memref<144x128xf32, #tpu.memory_space<vmem>> -> memref<128x128xf32, #tpu.memory_space<vmem>>
      %dma_start3A_65 = arith.constant 0 : i32
      %dma_start3A_66 = tpu.memref_slice %arg10[%add3A_12, %dma_start3A_65] : memref<10240x128xf32, #tpu.memory_space<vmem_shared>> -> memref<128x128xf32, #tpu.memory_space<vmem_shared>>
      %dma_start3A_67 = arith.constant 0 : i32
      %dma_start3A_68 = tpu.memref_slice %arg10[%add3A_12, %dma_start3A_67] : memref<10240x128xf32, #tpu.memory_space<vmem_shared>> -> memref<128x128xf32, #tpu.memory_space<vmem_shared>>
      %dma_start3A_69 = arith.constant 0 : i32
      %dma_start3A_70 = arith.constant 0 : i32
      %dma_start3A_71 = tpu.memref_slice %arg9[%dma_start3A_69, %dma_start3A_70] : memref<144x128xf32, #tpu.memory_space<vmem>> -> memref<128x128xf32, #tpu.memory_space<vmem>>
      tpu.enqueue_dma source(%dma_start3A_71 : memref<128x128xf32, #tpu.memory_space<vmem>>) target(%dma_start3A_68 : memref<128x128xf32, #tpu.memory_space<vmem_shared>>) target_semaphore(%run_scoped3A : memref<!tpu.dma_semaphore, #tpu.memory_space<semaphore_mem>>)
      %dma_wait3A_72 = arith.constant 0 : i32
      %dma_wait3A_73 = arith.constant 0 : i32
      %dma_wait3A_74 = tpu.memref_slice %arg9[%dma_wait3A_72, %dma_wait3A_73] : memref<144x128xf32, #tpu.memory_space<vmem>> -> memref<128x128xf32, #tpu.memory_space<vmem>>
      %dma_wait3A_75 = arith.constant 0 : i32
      %dma_wait3A_76 = tpu.memref_slice %arg10[%add3A_12, %dma_wait3A_75] : memref<10240x128xf32, #tpu.memory_space<vmem_shared>> -> memref<128x128xf32, #tpu.memory_space<vmem_shared>>
      %dma_wait3A_77 = arith.constant 0 : i32
      %dma_wait3A_78 = tpu.memref_slice %arg10[%add3A_12, %dma_wait3A_77] : memref<10240x128xf32, #tpu.memory_space<vmem_shared>> -> memref<128x128xf32, #tpu.memory_space<vmem_shared>>
      %dma_wait3A_79 = arith.constant 0 : i32
      %dma_wait3A_80 = arith.constant 0 : i32
      %dma_wait3A_81 = tpu.memref_slice %arg9[%dma_wait3A_79, %dma_wait3A_80] : memref<144x128xf32, #tpu.memory_space<vmem>> -> memref<128x128xf32, #tpu.memory_space<vmem>>
      tpu.wait_dma2 semaphore(%run_scoped3A : memref<!tpu.dma_semaphore, #tpu.memory_space<semaphore_mem>>) src(%dma_wait3A_81 : memref<128x128xf32, #tpu.memory_space<vmem>>) dst(%dma_wait3A_78 : memref<128x128xf32, #tpu.memory_space<vmem_shared>>)
      tpu.yield
    }) : () -> ()
    %add3A_13 = arith.constant 256 : i32
    %add3A_14 = arith.addi %mul3A_2, %add3A_13 : i32
    "tpu.region"() ({
      %run_scoped3A = tpu.sem_alloc : memref<!tpu.dma_semaphore, #tpu.memory_space<semaphore_mem>>
      %dma_start3A_62 = arith.constant 0 : i32
      %dma_start3A_63 = arith.constant 0 : i32
      %dma_start3A_64 = tpu.memref_slice %arg9[%dma_start3A_62, %dma_start3A_63] : memref<144x128xf32, #tpu.memory_space<vmem>> -> memref<128x128xf32, #tpu.memory_space<vmem>>
      %dma_start3A_65 = arith.constant 0 : i32
      %dma_start3A_66 = tpu.memref_slice %arg10[%add3A_14, %dma_start3A_65] : memref<10240x128xf32, #tpu.memory_space<vmem_shared>> -> memref<128x128xf32, #tpu.memory_space<vmem_shared>>
      %dma_start3A_67 = arith.constant 0 : i32
      %dma_start3A_68 = tpu.memref_slice %arg10[%add3A_14, %dma_start3A_67] : memref<10240x128xf32, #tpu.memory_space<vmem_shared>> -> memref<128x128xf32, #tpu.memory_space<vmem_shared>>
      %dma_start3A_69 = arith.constant 0 : i32
      %dma_start3A_70 = arith.constant 0 : i32
      %dma_start3A_71 = tpu.memref_slice %arg9[%dma_start3A_69, %dma_start3A_70] : memref<144x128xf32, #tpu.memory_space<vmem>> -> memref<128x128xf32, #tpu.memory_space<vmem>>
      tpu.enqueue_dma source(%dma_start3A_71 : memref<128x128xf32, #tpu.memory_space<vmem>>) target(%dma_start3A_68 : memref<128x128xf32, #tpu.memory_space<vmem_shared>>) target_semaphore(%run_scoped3A : memref<!tpu.dma_semaphore, #tpu.memory_space<semaphore_mem>>)
      %dma_wait3A_72 = arith.constant 0 : i32
      %dma_wait3A_73 = arith.constant 0 : i32
      %dma_wait3A_74 = tpu.memref_slice %arg9[%dma_wait3A_72, %dma_wait3A_73] : memref<144x128xf32, #tpu.memory_space<vmem>> -> memref<128x128xf32, #tpu.memory_space<vmem>>
      %dma_wait3A_75 = arith.constant 0 : i32
      %dma_wait3A_76 = tpu.memref_slice %arg10[%add3A_14, %dma_wait3A_75] : memref<10240x128xf32, #tpu.memory_space<vmem_shared>> -> memref<128x128xf32, #tpu.memory_space<vmem_shared>>
      %dma_wait3A_77 = arith.constant 0 : i32
      %dma_wait3A_78 = tpu.memref_slice %arg10[%add3A_14, %dma_wait3A_77] : memref<10240x128xf32, #tpu.memory_space<vmem_shared>> -> memref<128x128xf32, #tpu.memory_space<vmem_shared>>
      %dma_wait3A_79 = arith.constant 0 : i32
      %dma_wait3A_80 = arith.constant 0 : i32
      %dma_wait3A_81 = tpu.memref_slice %arg9[%dma_wait3A_79, %dma_wait3A_80] : memref<144x128xf32, #tpu.memory_space<vmem>> -> memref<128x128xf32, #tpu.memory_space<vmem>>
      tpu.wait_dma2 semaphore(%run_scoped3A : memref<!tpu.dma_semaphore, #tpu.memory_space<semaphore_mem>>) src(%dma_wait3A_81 : memref<128x128xf32, #tpu.memory_space<vmem>>) dst(%dma_wait3A_78 : memref<128x128xf32, #tpu.memory_space<vmem_shared>>)
      tpu.yield
    }) : () -> ()
    %add3A_15 = arith.constant 384 : i32
    %add3A_16 = arith.addi %mul3A_2, %add3A_15 : i32
    "tpu.region"() ({
      %run_scoped3A = tpu.sem_alloc : memref<!tpu.dma_semaphore, #tpu.memory_space<semaphore_mem>>
      %dma_start3A_62 = arith.constant 0 : i32
      %dma_start3A_63 = arith.constant 0 : i32
      %dma_start3A_64 = tpu.memref_slice %arg9[%dma_start3A_62, %dma_start3A_63] : memref<144x128xf32, #tpu.memory_space<vmem>> -> memref<128x128xf32, #tpu.memory_space<vmem>>
      %dma_start3A_65 = arith.constant 0 : i32
      %dma_start3A_66 = tpu.memref_slice %arg10[%add3A_16, %dma_start3A_65] : memref<10240x128xf32, #tpu.memory_space<vmem_shared>> -> memref<128x128xf32, #tpu.memory_space<vmem_shared>>
      %dma_start3A_67 = arith.constant 0 : i32
      %dma_start3A_68 = tpu.memref_slice %arg10[%add3A_16, %dma_start3A_67] : memref<10240x128xf32, #tpu.memory_space<vmem_shared>> -> memref<128x128xf32, #tpu.memory_space<vmem_shared>>
      %dma_start3A_69 = arith.constant 0 : i32
      %dma_start3A_70 = arith.constant 0 : i32
      %dma_start3A_71 = tpu.memref_slice %arg9[%dma_start3A_69, %dma_start3A_70] : memref<144x128xf32, #tpu.memory_space<vmem>> -> memref<128x128xf32, #tpu.memory_space<vmem>>
      tpu.enqueue_dma source(%dma_start3A_71 : memref<128x128xf32, #tpu.memory_space<vmem>>) target(%dma_start3A_68 : memref<128x128xf32, #tpu.memory_space<vmem_shared>>) target_semaphore(%run_scoped3A : memref<!tpu.dma_semaphore, #tpu.memory_space<semaphore_mem>>)
      %dma_wait3A_72 = arith.constant 0 : i32
      %dma_wait3A_73 = arith.constant 0 : i32
      %dma_wait3A_74 = tpu.memref_slice %arg9[%dma_wait3A_72, %dma_wait3A_73] : memref<144x128xf32, #tpu.memory_space<vmem>> -> memref<128x128xf32, #tpu.memory_space<vmem>>
      %dma_wait3A_75 = arith.constant 0 : i32
      %dma_wait3A_76 = tpu.memref_slice %arg10[%add3A_16, %dma_wait3A_75] : memref<10240x128xf32, #tpu.memory_space<vmem_shared>> -> memref<128x128xf32, #tpu.memory_space<vmem_shared>>
      %dma_wait3A_77 = arith.constant 0 : i32
      %dma_wait3A_78 = tpu.memref_slice %arg10[%add3A_16, %dma_wait3A_77] : memref<10240x128xf32, #tpu.memory_space<vmem_shared>> -> memref<128x128xf32, #tpu.memory_space<vmem_shared>>
      %dma_wait3A_79 = arith.constant 0 : i32
      %dma_wait3A_80 = arith.constant 0 : i32
      %dma_wait3A_81 = tpu.memref_slice %arg9[%dma_wait3A_79, %dma_wait3A_80] : memref<144x128xf32, #tpu.memory_space<vmem>> -> memref<128x128xf32, #tpu.memory_space<vmem>>
      tpu.wait_dma2 semaphore(%run_scoped3A : memref<!tpu.dma_semaphore, #tpu.memory_space<semaphore_mem>>) src(%dma_wait3A_81 : memref<128x128xf32, #tpu.memory_space<vmem>>) dst(%dma_wait3A_78 : memref<128x128xf32, #tpu.memory_space<vmem_shared>>)
      tpu.yield
    }) : () -> ()
    %add3A_17 = arith.constant 512 : i32
    %add3A_18 = arith.addi %mul3A_2, %add3A_17 : i32
    "tpu.region"() ({
      %run_scoped3A = tpu.sem_alloc : memref<!tpu.dma_semaphore, #tpu.memory_space<semaphore_mem>>
      %dma_start3A_62 = arith.constant 0 : i32
      %dma_start3A_63 = arith.constant 0 : i32
      %dma_start3A_64 = tpu.memref_slice %arg9[%dma_start3A_62, %dma_start3A_63] : memref<144x128xf32, #tpu.memory_space<vmem>> -> memref<128x128xf32, #tpu.memory_space<vmem>>
      %dma_start3A_65 = arith.constant 0 : i32
      %dma_start3A_66 = tpu.memref_slice %arg10[%add3A_18, %dma_start3A_65] : memref<10240x128xf32, #tpu.memory_space<vmem_shared>> -> memref<128x128xf32, #tpu.memory_space<vmem_shared>>
      %dma_start3A_67 = arith.constant 0 : i32
      %dma_start3A_68 = tpu.memref_slice %arg10[%add3A_18, %dma_start3A_67] : memref<10240x128xf32, #tpu.memory_space<vmem_shared>> -> memref<128x128xf32, #tpu.memory_space<vmem_shared>>
      %dma_start3A_69 = arith.constant 0 : i32
      %dma_start3A_70 = arith.constant 0 : i32
      %dma_start3A_71 = tpu.memref_slice %arg9[%dma_start3A_69, %dma_start3A_70] : memref<144x128xf32, #tpu.memory_space<vmem>> -> memref<128x128xf32, #tpu.memory_space<vmem>>
      tpu.enqueue_dma source(%dma_start3A_71 : memref<128x128xf32, #tpu.memory_space<vmem>>) target(%dma_start3A_68 : memref<128x128xf32, #tpu.memory_space<vmem_shared>>) target_semaphore(%run_scoped3A : memref<!tpu.dma_semaphore, #tpu.memory_space<semaphore_mem>>)
      %dma_wait3A_72 = arith.constant 0 : i32
      %dma_wait3A_73 = arith.constant 0 : i32
      %dma_wait3A_74 = tpu.memref_slice %arg9[%dma_wait3A_72, %dma_wait3A_73] : memref<144x128xf32, #tpu.memory_space<vmem>> -> memref<128x128xf32, #tpu.memory_space<vmem>>
      %dma_wait3A_75 = arith.constant 0 : i32
      %dma_wait3A_76 = tpu.memref_slice %arg10[%add3A_18, %dma_wait3A_75] : memref<10240x128xf32, #tpu.memory_space<vmem_shared>> -> memref<128x128xf32, #tpu.memory_space<vmem_shared>>
      %dma_wait3A_77 = arith.constant 0 : i32
      %dma_wait3A_78 = tpu.memref_slice %arg10[%add3A_18, %dma_wait3A_77] : memref<10240x128xf32, #tpu.memory_space<vmem_shared>> -> memref<128x128xf32, #tpu.memory_space<vmem_shared>>
      %dma_wait3A_79 = arith.constant 0 : i32
      %dma_wait3A_80 = arith.constant 0 : i32
      %dma_wait3A_81 = tpu.memref_slice %arg9[%dma_wait3A_79, %dma_wait3A_80] : memref<144x128xf32, #tpu.memory_space<vmem>> -> memref<128x128xf32, #tpu.memory_space<vmem>>
      tpu.wait_dma2 semaphore(%run_scoped3A : memref<!tpu.dma_semaphore, #tpu.memory_space<semaphore_mem>>) src(%dma_wait3A_81 : memref<128x128xf32, #tpu.memory_space<vmem>>) dst(%dma_wait3A_78 : memref<128x128xf32, #tpu.memory_space<vmem_shared>>)
      tpu.yield
    }) : () -> ()
    %scan3A_19 = arith.constant 0 : i32
    %scan3A_20 = arith.constant 0 : i32
    %scan3A_21 = arith.constant 640 : i32
    %scan3A_22 = arith.addi %scan3A_20, %scan3A_21 : i32
    %scan3A_23 = arith.constant 1 : i32
    scf.for %scan3A_62 = %scan3A_20 to %scan3A_22 step %scan3A_23  : i32 {
      %mul3A_63 = arith.constant 16 : i32
      %mul3A_64 = arith.muli %scan3A_62, %mul3A_63 : i32
      %swap3A = arith.index_cast %mul3A_64 : i32 to index
      %swap3A_65 = tpu.vector_load %arg17[%swap3A] {strides = array<i32>} : memref<10240xf32, #tpu.memory_space<vmem>>, vector<16xf32>,
      tpu.vector_store %arg17[%swap3A], %broadcast_in_dim3A_3 {strides = array<i32>} : memref<10240xf32, #tpu.memory_space<vmem>>, vector<16xf32>,
    }
    %scan3A_24 = arith.constant 640 : i32
    %barrier3A = arith.constant 0 : index
    tpu.barrier barrier_id(%barrier3A)
    %broadcast_in_dim3A_25 = arith.constant 1.000000e+00 : f32
    %broadcast_in_dim3A_26 = vector.broadcast %broadcast_in_dim3A_25 : f32 to vector<16xf32>
    %dma_start3A = arith.constant 0 : i32
    %dma_start3A_27 = arith.constant 0 : i32
    %dma_start3A_28 = arith.constant 0 : i32
    %dma_start3A_29 = tpu.memref_slice %arg9[%dma_start3A_27, %dma_start3A_28] : memref<144x128xf32, #tpu.memory_space<vmem>> -> memref<48x128xf32, #tpu.memory_space<vmem>>
    %dma_start3A_30 = arith.constant 0 : i32
    %dma_start3A_31 = tpu.memref_slice %arg7[%dma_start3A, %dma_start3A_30] : memref<210x48xi32, #tpu.memory_space<vmem>> -> memref<1x48xi32, #tpu.memory_space<vmem>>
    %dma_start3A_32 = tpu.memref_squeeze %dma_start3A_31 : memref<1x48xi32, #tpu.memory_space<vmem>> -> memref<48xi32, #tpu.memory_space<vmem>>
    %dma_start3A_33 = arith.constant 0 : i32
    %dma_start3A_34 = arith.constant 0 : i32
    %dma_start3A_35 = tpu.memref_slice %arg2[%dma_start3A_33, %dma_start3A_34] : memref<10000x128xf32, #tpu.memory_space<hbm>> -> memref<10000x128xf32, #tpu.memory_space<hbm>>
    tpu.enqueue_indirect_dma source(%dma_start3A_35 : memref<10000x128xf32, #tpu.memory_space<hbm>>) target(%dma_start3A_29 : memref<48x128xf32, #tpu.memory_space<vmem>>) offsets(%dma_start3A_32 : memref<48xi32, #tpu.memory_space<vmem>>) semaphore(%arg11 : memref<!tpu.dma_semaphore, #tpu.memory_space<semaphore_mem>>)
    %dma_start3A_36 = arith.constant 1 : i32
    %dma_start3A_37 = arith.constant 48 : i32
    %dma_start3A_38 = arith.constant 0 : i32
    %dma_start3A_39 = tpu.memref_slice %arg9[%dma_start3A_37, %dma_start3A_38] : memref<144x128xf32, #tpu.memory_space<vmem>> -> memref<48x128xf32, #tpu.memory_space<vmem>>
    %dma_start3A_40 = arith.constant 0 : i32
    %dma_start3A_41 = tpu.memref_slice %arg7[%dma_start3A_36, %dma_start3A_40] : memref<210x48xi32, #tpu.memory_space<vmem>> -> memref<1x48xi32, #tpu.memory_space<vmem>>
    %dma_start3A_42 = tpu.memref_squeeze %dma_start3A_41 : memref<1x48xi32, #tpu.memory_space<vmem>> -> memref<48xi32, #tpu.memory_space<vmem>>
    %dma_start3A_43 = arith.constant 0 : i32
    %dma_start3A_44 = arith.constant 0 : i32
    %dma_start3A_45 = tpu.memref_slice %arg2[%dma_start3A_43, %dma_start3A_44] : memref<10000x128xf32, #tpu.memory_space<hbm>> -> memref<10000x128xf32, #tpu.memory_space<hbm>>
    tpu.enqueue_indirect_dma source(%dma_start3A_45 : memref<10000x128xf32, #tpu.memory_space<hbm>>) target(%dma_start3A_39 : memref<48x128xf32, #tpu.memory_space<vmem>>) offsets(%dma_start3A_42 : memref<48xi32, #tpu.memory_space<vmem>>) semaphore(%arg12 : memref<!tpu.dma_semaphore, #tpu.memory_space<semaphore_mem>>)
    %scan3A_46 = arith.constant 0 : i32
    %scan3A_47 = arith.constant 0 : i32
    %scan3A_48 = arith.constant 70 : i32
    %scan3A_49 = arith.addi %scan3A_47, %scan3A_48 : i32
    %scan3A_50 = arith.constant 1 : i32
    scf.for %scan3A_62 = %scan3A_47 to %scan3A_49 step %scan3A_50  : i32 {
      %mul3A_63 = arith.constant 3 : i32
      %mul3A_64 = arith.muli %mul3A_63, %scan3A_62 : i32
      %add3A_65 = arith.constant 0 : i32
      %add3A_66 = arith.addi %mul3A_64, %add3A_65 : i32
      %dma_wait3A_67 = arith.constant 0 : i32
      %dma_wait3A_68 = arith.constant 0 : i32
      %dma_wait3A_69 = tpu.memref_slice %arg9[%dma_wait3A_67, %dma_wait3A_68] : memref<144x128xf32, #tpu.memory_space<vmem>> -> memref<48x128xf32, #tpu.memory_space<vmem>>
      %dma_wait3A_70 = arith.constant 0 : i32
      %dma_wait3A_71 = tpu.memref_slice %arg7[%add3A_66, %dma_wait3A_70] : memref<210x48xi32, #tpu.memory_space<vmem>> -> memref<1x48xi32, #tpu.memory_space<vmem>>
      %dma_wait3A_72 = tpu.memref_squeeze %dma_wait3A_71 : memref<1x48xi32, #tpu.memory_space<vmem>> -> memref<48xi32, #tpu.memory_space<vmem>>
      %dma_wait3A_73 = arith.constant 0 : i32
      %dma_wait3A_74 = arith.constant 0 : i32
      %dma_wait3A_75 = tpu.memref_slice %arg2[%dma_wait3A_73, %dma_wait3A_74] : memref<10000x128xf32, #tpu.memory_space<hbm>> -> memref<10000x128xf32, #tpu.memory_space<hbm>>
      tpu.wait_indirect_dma semaphore(%arg11 : memref<!tpu.dma_semaphore, #tpu.memory_space<semaphore_mem>>) src(%dma_wait3A_75 : memref<10000x128xf32, #tpu.memory_space<hbm>>) dst(%dma_wait3A_69 : memref<48x128xf32, #tpu.memory_space<vmem>>)
      %dma_start3A_76 = arith.constant 0 : i32
      %dma_start3A_77 = arith.constant 0 : i32
      %dma_start3A_78 = tpu.memref_slice %arg9[%dma_start3A_76, %dma_start3A_77] : memref<144x128xf32, #tpu.memory_space<vmem>> -> memref<48x128xf32, #tpu.memory_space<vmem>>
      %dma_start3A_79 = arith.constant 0 : i32
      %dma_start3A_80 = tpu.memref_slice %arg8[%add3A_66, %dma_start3A_79] : memref<210x48xi32, #tpu.memory_space<vmem>> -> memref<1x48xi32, #tpu.memory_space<vmem>>
      %dma_start3A_81 = tpu.memref_squeeze %dma_start3A_80 : memref<1x48xi32, #tpu.memory_space<vmem>> -> memref<48xi32, #tpu.memory_space<vmem>>
      %dma_start3A_82 = arith.constant 0 : i32
      %dma_start3A_83 = arith.constant 0 : i32
      %dma_start3A_84 = tpu.memref_slice %arg10[%dma_start3A_82, %dma_start3A_83] : memref<10240x128xf32, #tpu.memory_space<vmem_shared>> -> memref<10240x128xf32, #tpu.memory_space<vmem_shared>>
      tpu.enqueue_indirect_dma source(%dma_start3A_78 : memref<48x128xf32, #tpu.memory_space<vmem>>) target(%dma_start3A_84 : memref<10240x128xf32, #tpu.memory_space<vmem_shared>>) offsets(%dma_start3A_81 : memref<48xi32, #tpu.memory_space<vmem>>) semaphore(%arg14 : memref<!tpu.dma_semaphore, #tpu.memory_space<semaphore_mem>>) {add = true}
      %get3A = arith.index_cast %add3A_66 : i32 to index
      %get3A_85 = arith.constant 0 : index
      %get3A_86 = tpu.vector_load %arg8[%get3A, %get3A_85] {strides = array<i32>} : memref<210x48xi32, #tpu.memory_space<vmem>>, vector<16xi32>,
      tpu.vector_store_idx %arg17[%get3A_86], %broadcast_in_dim3A_26 {add = true} : memref<10240xf32, #tpu.memory_space<vmem>>[vector<16xi32>], vector<16xf32>,
      %get3A_87 = arith.index_cast %add3A_66 : i32 to index
      %get3A_88 = arith.constant 16 : index
      %get3A_89 = tpu.vector_load %arg8[%get3A_87, %get3A_88] {strides = array<i32>} : memref<210x48xi32, #tpu.memory_space<vmem>>, vector<16xi32>,
      tpu.vector_store_idx %arg17[%get3A_89], %broadcast_in_dim3A_26 {add = true} : memref<10240xf32, #tpu.memory_space<vmem>>[vector<16xi32>], vector<16xf32>,
      %get3A_90 = arith.index_cast %add3A_66 : i32 to index
      %get3A_91 = arith.constant 32 : index
      %get3A_92 = tpu.vector_load %arg8[%get3A_90, %get3A_91] {strides = array<i32>} : memref<210x48xi32, #tpu.memory_space<vmem>>, vector<16xi32>,
      tpu.vector_store_idx %arg17[%get3A_92], %broadcast_in_dim3A_26 {add = true} : memref<10240xf32, #tpu.memory_space<vmem>>[vector<16xi32>], vector<16xf32>,
      %add3A_93 = arith.constant 2 : i32
      %add3A_94 = arith.addi %add3A_66, %add3A_93 : i32
      %sub3A = arith.constant 3 : i32
      %sub3A_95 = arith.subi %add3A_94, %sub3A : i32
      %ge3A = arith.constant 0 : i32
      %ge3A_96 = arith.cmpi sge, %sub3A_95, %ge3A : i32
      %convert_element_type3A = arith.extui %ge3A_96 : i1 to i32
      %cond3A = arith.constant 0 : i32
      %cond3A_97 = arith.cmpi ne, %convert_element_type3A, %cond3A : i32
      scf.if %cond3A_97 {
        %dma_wait3A_194 = arith.constant 96 : i32
        %dma_wait3A_195 = arith.constant 0 : i32
        %dma_wait3A_196 = tpu.memref_slice %arg9[%dma_wait3A_194, %dma_wait3A_195] : memref<144x128xf32, #tpu.memory_space<vmem>> -> memref<48x128xf32, #tpu.memory_space<vmem>>
        %dma_wait3A_197 = arith.constant 0 : i32
        %dma_wait3A_198 = tpu.memref_slice %arg8[%sub3A_95, %dma_wait3A_197] : memref<210x48xi32, #tpu.memory_space<vmem>> -> memref<1x48xi32, #tpu.memory_space<vmem>>
        %dma_wait3A_199 = tpu.memref_squeeze %dma_wait3A_198 : memref<1x48xi32, #tpu.memory_space<vmem>> -> memref<48xi32, #tpu.memory_space<vmem>>
        %dma_wait3A_200 = arith.constant 0 : i32
        %dma_wait3A_201 = arith.constant 0 : i32
        %dma_wait3A_202 = tpu.memref_slice %arg10[%dma_wait3A_200, %dma_wait3A_201] : memref<10240x128xf32, #tpu.memory_space<vmem_shared>> -> memref<10240x128xf32, #tpu.memory_space<vmem_shared>>
        tpu.wait_indirect_dma semaphore(%arg16 : memref<!tpu.dma_semaphore, #tpu.memory_space<semaphore_mem>>) src(%dma_wait3A_196 : memref<48x128xf32, #tpu.memory_space<vmem>>) dst(%dma_wait3A_202 : memref<10240x128xf32, #tpu.memory_space<vmem_shared>>)
      } else {
      }
      %add3A_98 = arith.constant 2 : i32
      %add3A_99 = arith.addi %add3A_66, %add3A_98 : i32
      %lt3A = arith.constant 210 : i32
      %lt3A_100 = arith.cmpi slt, %add3A_99, %lt3A : i32
      %convert_element_type3A_101 = arith.extui %lt3A_100 : i1 to i32
      %cond3A_102 = arith.constant 0 : i32
      %cond3A_103 = arith.cmpi ne, %convert_element_type3A_101, %cond3A_102 : i32
      scf.if %cond3A_103 {
        %add3A_194 = arith.constant 2 : i32
        %add3A_195 = arith.addi %add3A_66, %add3A_194 : i32
        %dma_start3A_196 = arith.constant 96 : i32
        %dma_start3A_197 = arith.constant 0 : i32
        %dma_start3A_198 = tpu.memref_slice %arg9[%dma_start3A_196, %dma_start3A_197] : memref<144x128xf32, #tpu.memory_space<vmem>> -> memref<48x128xf32, #tpu.memory_space<vmem>>
        %dma_start3A_199 = arith.constant 0 : i32
        %dma_start3A_200 = tpu.memref_slice %arg7[%add3A_195, %dma_start3A_199] : memref<210x48xi32, #tpu.memory_space<vmem>> -> memref<1x48xi32, #tpu.memory_space<vmem>>
        %dma_start3A_201 = tpu.memref_squeeze %dma_start3A_200 : memref<1x48xi32, #tpu.memory_space<vmem>> -> memref<48xi32, #tpu.memory_space<vmem>>
        %dma_start3A_202 = arith.constant 0 : i32
        %dma_start3A_203 = arith.constant 0 : i32
        %dma_start3A_204 = tpu.memref_slice %arg2[%dma_start3A_202, %dma_start3A_203] : memref<10000x128xf32, #tpu.memory_space<hbm>> -> memref<10000x128xf32, #tpu.memory_space<hbm>>
        tpu.enqueue_indirect_dma source(%dma_start3A_204 : memref<10000x128xf32, #tpu.memory_space<hbm>>) target(%dma_start3A_198 : memref<48x128xf32, #tpu.memory_space<vmem>>) offsets(%dma_start3A_201 : memref<48xi32, #tpu.memory_space<vmem>>) semaphore(%arg13 : memref<!tpu.dma_semaphore, #tpu.memory_space<semaphore_mem>>)
      } else {
      }
      %add3A_104 = arith.constant 1 : i32
      %add3A_105 = arith.addi %mul3A_64, %add3A_104 : i32
      %dma_wait3A_106 = arith.constant 48 : i32
      %dma_wait3A_107 = arith.constant 0 : i32
      %dma_wait3A_108 = tpu.memref_slice %arg9[%dma_wait3A_106, %dma_wait3A_107] : memref<144x128xf32, #tpu.memory_space<vmem>> -> memref<48x128xf32, #tpu.memory_space<vmem>>
      %dma_wait3A_109 = arith.constant 0 : i32
      %dma_wait3A_110 = tpu.memref_slice %arg7[%add3A_105, %dma_wait3A_109] : memref<210x48xi32, #tpu.memory_space<vmem>> -> memref<1x48xi32, #tpu.memory_space<vmem>>
      %dma_wait3A_111 = tpu.memref_squeeze %dma_wait3A_110 : memref<1x48xi32, #tpu.memory_space<vmem>> -> memref<48xi32, #tpu.memory_space<vmem>>
      %dma_wait3A_112 = arith.constant 0 : i32
      %dma_wait3A_113 = arith.constant 0 : i32
      %dma_wait3A_114 = tpu.memref_slice %arg2[%dma_wait3A_112, %dma_wait3A_113] : memref<10000x128xf32, #tpu.memory_space<hbm>> -> memref<10000x128xf32, #tpu.memory_space<hbm>>
      tpu.wait_indirect_dma semaphore(%arg12 : memref<!tpu.dma_semaphore, #tpu.memory_space<semaphore_mem>>) src(%dma_wait3A_114 : memref<10000x128xf32, #tpu.memory_space<hbm>>) dst(%dma_wait3A_108 : memref<48x128xf32, #tpu.memory_space<vmem>>)
      %dma_start3A_115 = arith.constant 48 : i32
      %dma_start3A_116 = arith.constant 0 : i32
      %dma_start3A_117 = tpu.memref_slice %arg9[%dma_start3A_115, %dma_start3A_116] : memref<144x128xf32, #tpu.memory_space<vmem>> -> memref<48x128xf32, #tpu.memory_space<vmem>>
      %dma_start3A_118 = arith.constant 0 : i32
      %dma_start3A_119 = tpu.memref_slice %arg8[%add3A_105, %dma_start3A_118] : memref<210x48xi32, #tpu.memory_space<vmem>> -> memref<1x48xi32, #tpu.memory_space<vmem>>
      %dma_start3A_120 = tpu.memref_squeeze %dma_start3A_119 : memref<1x48xi32, #tpu.memory_space<vmem>> -> memref<48xi32, #tpu.memory_space<vmem>>
      %dma_start3A_121 = arith.constant 0 : i32
      %dma_start3A_122 = arith.constant 0 : i32
      %dma_start3A_123 = tpu.memref_slice %arg10[%dma_start3A_121, %dma_start3A_122] : memref<10240x128xf32, #tpu.memory_space<vmem_shared>> -> memref<10240x128xf32, #tpu.memory_space<vmem_shared>>
      tpu.enqueue_indirect_dma source(%dma_start3A_117 : memref<48x128xf32, #tpu.memory_space<vmem>>) target(%dma_start3A_123 : memref<10240x128xf32, #tpu.memory_space<vmem_shared>>) offsets(%dma_start3A_120 : memref<48xi32, #tpu.memory_space<vmem>>) semaphore(%arg15 : memref<!tpu.dma_semaphore, #tpu.memory_space<semaphore_mem>>) {add = true}
      %get3A_124 = arith.index_cast %add3A_105 : i32 to index
      %get3A_125 = arith.constant 0 : index
      %get3A_126 = tpu.vector_load %arg8[%get3A_124, %get3A_125] {strides = array<i32>} : memref<210x48xi32, #tpu.memory_space<vmem>>, vector<16xi32>,
      tpu.vector_store_idx %arg17[%get3A_126], %broadcast_in_dim3A_26 {add = true} : memref<10240xf32, #tpu.memory_space<vmem>>[vector<16xi32>], vector<16xf32>,
      %get3A_127 = arith.index_cast %add3A_105 : i32 to index
      %get3A_128 = arith.constant 16 : index
      %get3A_129 = tpu.vector_load %arg8[%get3A_127, %get3A_128] {strides = array<i32>} : memref<210x48xi32, #tpu.memory_space<vmem>>, vector<16xi32>,
      tpu.vector_store_idx %arg17[%get3A_129], %broadcast_in_dim3A_26 {add = true} : memref<10240xf32, #tpu.memory_space<vmem>>[vector<16xi32>], vector<16xf32>,
      %get3A_130 = arith.index_cast %add3A_105 : i32 to index
      %get3A_131 = arith.constant 32 : index
      %get3A_132 = tpu.vector_load %arg8[%get3A_130, %get3A_131] {strides = array<i32>} : memref<210x48xi32, #tpu.memory_space<vmem>>, vector<16xi32>,
      tpu.vector_store_idx %arg17[%get3A_132], %broadcast_in_dim3A_26 {add = true} : memref<10240xf32, #tpu.memory_space<vmem>>[vector<16xi32>], vector<16xf32>,
      %add3A_133 = arith.constant 2 : i32
      %add3A_134 = arith.addi %add3A_105, %add3A_133 : i32
      %sub3A_135 = arith.constant 3 : i32
      %sub3A_136 = arith.subi %add3A_134, %sub3A_135 : i32
      %ge3A_137 = arith.constant 0 : i32
      %ge3A_138 = arith.cmpi sge, %sub3A_136, %ge3A_137 : i32
      %convert_element_type3A_139 = arith.extui %ge3A_138 : i1 to i32
      %cond3A_140 = arith.constant 0 : i32
      %cond3A_141 = arith.cmpi ne, %convert_element_type3A_139, %cond3A_140 : i32
      scf.if %cond3A_141 {
        %dma_wait3A_194 = arith.constant 0 : i32
        %dma_wait3A_195 = arith.constant 0 : i32
        %dma_wait3A_196 = tpu.memref_slice %arg9[%dma_wait3A_194, %dma_wait3A_195] : memref<144x128xf32, #tpu.memory_space<vmem>> -> memref<48x128xf32, #tpu.memory_space<vmem>>
        %dma_wait3A_197 = arith.constant 0 : i32
        %dma_wait3A_198 = tpu.memref_slice %arg8[%sub3A_136, %dma_wait3A_197] : memref<210x48xi32, #tpu.memory_space<vmem>> -> memref<1x48xi32, #tpu.memory_space<vmem>>
        %dma_wait3A_199 = tpu.memref_squeeze %dma_wait3A_198 : memref<1x48xi32, #tpu.memory_space<vmem>> -> memref<48xi32, #tpu.memory_space<vmem>>
        %dma_wait3A_200 = arith.constant 0 : i32
        %dma_wait3A_201 = arith.constant 0 : i32
        %dma_wait3A_202 = tpu.memref_slice %arg10[%dma_wait3A_200, %dma_wait3A_201] : memref<10240x128xf32, #tpu.memory_space<vmem_shared>> -> memref<10240x128xf32, #tpu.memory_space<vmem_shared>>
        tpu.wait_indirect_dma semaphore(%arg14 : memref<!tpu.dma_semaphore, #tpu.memory_space<semaphore_mem>>) src(%dma_wait3A_196 : memref<48x128xf32, #tpu.memory_space<vmem>>) dst(%dma_wait3A_202 : memref<10240x128xf32, #tpu.memory_space<vmem_shared>>)
      } else {
      }
      %add3A_142 = arith.constant 2 : i32
      %add3A_143 = arith.addi %add3A_105, %add3A_142 : i32
      %lt3A_144 = arith.constant 210 : i32
      %lt3A_145 = arith.cmpi slt, %add3A_143, %lt3A_144 : i32
      %convert_element_type3A_146 = arith.extui %lt3A_145 : i1 to i32
      %cond3A_147 = arith.constant 0 : i32
      %cond3A_148 = arith.cmpi ne, %convert_element_type3A_146, %cond3A_147 : i32
      scf.if %cond3A_148 {
        %add3A_194 = arith.constant 2 : i32
        %add3A_195 = arith.addi %add3A_105, %add3A_194 : i32
        %dma_start3A_196 = arith.constant 0 : i32
        %dma_start3A_197 = arith.constant 0 : i32
        %dma_start3A_198 = tpu.memref_slice %arg9[%dma_start3A_196, %dma_start3A_197] : memref<144x128xf32, #tpu.memory_space<vmem>> -> memref<48x128xf32, #tpu.memory_space<vmem>>
        %dma_start3A_199 = arith.constant 0 : i32
        %dma_start3A_200 = tpu.memref_slice %arg7[%add3A_195, %dma_start3A_199] : memref<210x48xi32, #tpu.memory_space<vmem>> -> memref<1x48xi32, #tpu.memory_space<vmem>>
        %dma_start3A_201 = tpu.memref_squeeze %dma_start3A_200 : memref<1x48xi32, #tpu.memory_space<vmem>> -> memref<48xi32, #tpu.memory_space<vmem>>
        %dma_start3A_202 = arith.constant 0 : i32
        %dma_start3A_203 = arith.constant 0 : i32
        %dma_start3A_204 = tpu.memref_slice %arg2[%dma_start3A_202, %dma_start3A_203] : memref<10000x128xf32, #tpu.memory_space<hbm>> -> memref<10000x128xf32, #tpu.memory_space<hbm>>
        tpu.enqueue_indirect_dma source(%dma_start3A_204 : memref<10000x128xf32, #tpu.memory_space<hbm>>) target(%dma_start3A_198 : memref<48x128xf32, #tpu.memory_space<vmem>>) offsets(%dma_start3A_201 : memref<48xi32, #tpu.memory_space<vmem>>) semaphore(%arg11 : memref<!tpu.dma_semaphore, #tpu.memory_space<semaphore_mem>>)
      } else {
      }
      %add3A_149 = arith.constant 2 : i32
      %add3A_150 = arith.addi %mul3A_64, %add3A_149 : i32
      %dma_wait3A_151 = arith.constant 96 : i32
      %dma_wait3A_152 = arith.constant 0 : i32
      %dma_wait3A_153 = tpu.memref_slice %arg9[%dma_wait3A_151, %dma_wait3A_152] : memref<144x128xf32, #tpu.memory_space<vmem>> -> memref<48x128xf32, #tpu.memory_space<vmem>>
      %dma_wait3A_154 = arith.constant 0 : i32
      %dma_wait3A_155 = tpu.memref_slice %arg7[%add3A_150, %dma_wait3A_154] : memref<210x48xi32, #tpu.memory_space<vmem>> -> memref<1x48xi32, #tpu.memory_space<vmem>>
      %dma_wait3A_156 = tpu.memref_squeeze %dma_wait3A_155 : memref<1x48xi32, #tpu.memory_space<vmem>> -> memref<48xi32, #tpu.memory_space<vmem>>
      %dma_wait3A_157 = arith.constant 0 : i32
      %dma_wait3A_158 = arith.constant 0 : i32
      %dma_wait3A_159 = tpu.memref_slice %arg2[%dma_wait3A_157, %dma_wait3A_158] : memref<10000x128xf32, #tpu.memory_space<hbm>> -> memref<10000x128xf32, #tpu.memory_space<hbm>>
      tpu.wait_indirect_dma semaphore(%arg13 : memref<!tpu.dma_semaphore, #tpu.memory_space<semaphore_mem>>) src(%dma_wait3A_159 : memref<10000x128xf32, #tpu.memory_space<hbm>>) dst(%dma_wait3A_153 : memref<48x128xf32, #tpu.memory_space<vmem>>)
      %dma_start3A_160 = arith.constant 96 : i32
      %dma_start3A_161 = arith.constant 0 : i32
      %dma_start3A_162 = tpu.memref_slice %arg9[%dma_start3A_160, %dma_start3A_161] : memref<144x128xf32, #tpu.memory_space<vmem>> -> memref<48x128xf32, #tpu.memory_space<vmem>>
      %dma_start3A_163 = arith.constant 0 : i32
      %dma_start3A_164 = tpu.memref_slice %arg8[%add3A_150, %dma_start3A_163] : memref<210x48xi32, #tpu.memory_space<vmem>> -> memref<1x48xi32, #tpu.memory_space<vmem>>
      %dma_start3A_165 = tpu.memref_squeeze %dma_start3A_164 : memref<1x48xi32, #tpu.memory_space<vmem>> -> memref<48xi32, #tpu.memory_space<vmem>>
      %dma_start3A_166 = arith.constant 0 : i32
      %dma_start3A_167 = arith.constant 0 : i32
      %dma_start3A_168 = tpu.memref_slice %arg10[%dma_start3A_166, %dma_start3A_167] : memref<10240x128xf32, #tpu.memory_space<vmem_shared>> -> memref<10240x128xf32, #tpu.memory_space<vmem_shared>>
      tpu.enqueue_indirect_dma source(%dma_start3A_162 : memref<48x128xf32, #tpu.memory_space<vmem>>) target(%dma_start3A_168 : memref<10240x128xf32, #tpu.memory_space<vmem_shared>>) offsets(%dma_start3A_165 : memref<48xi32, #tpu.memory_space<vmem>>) semaphore(%arg16 : memref<!tpu.dma_semaphore, #tpu.memory_space<semaphore_mem>>) {add = true}
      %get3A_169 = arith.index_cast %add3A_150 : i32 to index
      %get3A_170 = arith.constant 0 : index
      %get3A_171 = tpu.vector_load %arg8[%get3A_169, %get3A_170] {strides = array<i32>} : memref<210x48xi32, #tpu.memory_space<vmem>>, vector<16xi32>,
      tpu.vector_store_idx %arg17[%get3A_171], %broadcast_in_dim3A_26 {add = true} : memref<10240xf32, #tpu.memory_space<vmem>>[vector<16xi32>], vector<16xf32>,
      %get3A_172 = arith.index_cast %add3A_150 : i32 to index
      %get3A_173 = arith.constant 16 : index
      %get3A_174 = tpu.vector_load %arg8[%get3A_172, %get3A_173] {strides = array<i32>} : memref<210x48xi32, #tpu.memory_space<vmem>>, vector<16xi32>,
      tpu.vector_store_idx %arg17[%get3A_174], %broadcast_in_dim3A_26 {add = true} : memref<10240xf32, #tpu.memory_space<vmem>>[vector<16xi32>], vector<16xf32>,
      %get3A_175 = arith.index_cast %add3A_150 : i32 to index
      %get3A_176 = arith.constant 32 : index
      %get3A_177 = tpu.vector_load %arg8[%get3A_175, %get3A_176] {strides = array<i32>} : memref<210x48xi32, #tpu.memory_space<vmem>>, vector<16xi32>,
      tpu.vector_store_idx %arg17[%get3A_177], %broadcast_in_dim3A_26 {add = true} : memref<10240xf32, #tpu.memory_space<vmem>>[vector<16xi32>], vector<16xf32>,
      %add3A_178 = arith.constant 2 : i32
      %add3A_179 = arith.addi %add3A_150, %add3A_178 : i32
      %sub3A_180 = arith.constant 3 : i32
      %sub3A_181 = arith.subi %add3A_179, %sub3A_180 : i32
      %ge3A_182 = arith.constant 0 : i32
      %ge3A_183 = arith.cmpi sge, %sub3A_181, %ge3A_182 : i32
      %convert_element_type3A_184 = arith.extui %ge3A_183 : i1 to i32
      %cond3A_185 = arith.constant 0 : i32
      %cond3A_186 = arith.cmpi ne, %convert_element_type3A_184, %cond3A_185 : i32
      scf.if %cond3A_186 {
        %dma_wait3A_194 = arith.constant 48 : i32
        %dma_wait3A_195 = arith.constant 0 : i32
        %dma_wait3A_196 = tpu.memref_slice %arg9[%dma_wait3A_194, %dma_wait3A_195] : memref<144x128xf32, #tpu.memory_space<vmem>> -> memref<48x128xf32, #tpu.memory_space<vmem>>
        %dma_wait3A_197 = arith.constant 0 : i32
        %dma_wait3A_198 = tpu.memref_slice %arg8[%sub3A_181, %dma_wait3A_197] : memref<210x48xi32, #tpu.memory_space<vmem>> -> memref<1x48xi32, #tpu.memory_space<vmem>>
        %dma_wait3A_199 = tpu.memref_squeeze %dma_wait3A_198 : memref<1x48xi32, #tpu.memory_space<vmem>> -> memref<48xi32, #tpu.memory_space<vmem>>
        %dma_wait3A_200 = arith.constant 0 : i32
        %dma_wait3A_201 = arith.constant 0 : i32
        %dma_wait3A_202 = tpu.memref_slice %arg10[%dma_wait3A_200, %dma_wait3A_201] : memref<10240x128xf32, #tpu.memory_space<vmem_shared>> -> memref<10240x128xf32, #tpu.memory_space<vmem_shared>>
        tpu.wait_indirect_dma semaphore(%arg15 : memref<!tpu.dma_semaphore, #tpu.memory_space<semaphore_mem>>) src(%dma_wait3A_196 : memref<48x128xf32, #tpu.memory_space<vmem>>) dst(%dma_wait3A_202 : memref<10240x128xf32, #tpu.memory_space<vmem_shared>>)
      } else {
      }
      %add3A_187 = arith.constant 2 : i32
      %add3A_188 = arith.addi %add3A_150, %add3A_187 : i32
      %lt3A_189 = arith.constant 210 : i32
      %lt3A_190 = arith.cmpi slt, %add3A_188, %lt3A_189 : i32
      %convert_element_type3A_191 = arith.extui %lt3A_190 : i1 to i32
      %cond3A_192 = arith.constant 0 : i32
      %cond3A_193 = arith.cmpi ne, %convert_element_type3A_191, %cond3A_192 : i32
      scf.if %cond3A_193 {
        %add3A_194 = arith.constant 2 : i32
        %add3A_195 = arith.addi %add3A_150, %add3A_194 : i32
        %dma_start3A_196 = arith.constant 48 : i32
        %dma_start3A_197 = arith.constant 0 : i32
        %dma_start3A_198 = tpu.memref_slice %arg9[%dma_start3A_196, %dma_start3A_197] : memref<144x128xf32, #tpu.memory_space<vmem>> -> memref<48x128xf32, #tpu.memory_space<vmem>>
        %dma_start3A_199 = arith.constant 0 : i32
        %dma_start3A_200 = tpu.memref_slice %arg7[%add3A_195, %dma_start3A_199] : memref<210x48xi32, #tpu.memory_space<vmem>> -> memref<1x48xi32, #tpu.memory_space<vmem>>
        %dma_start3A_201 = tpu.memref_squeeze %dma_start3A_200 : memref<1x48xi32, #tpu.memory_space<vmem>> -> memref<48xi32, #tpu.memory_space<vmem>>
        %dma_start3A_202 = arith.constant 0 : i32
        %dma_start3A_203 = arith.constant 0 : i32
        %dma_start3A_204 = tpu.memref_slice %arg2[%dma_start3A_202, %dma_start3A_203] : memref<10000x128xf32, #tpu.memory_space<hbm>> -> memref<10000x128xf32, #tpu.memory_space<hbm>>
        tpu.enqueue_indirect_dma source(%dma_start3A_204 : memref<10000x128xf32, #tpu.memory_space<hbm>>) target(%dma_start3A_198 : memref<48x128xf32, #tpu.memory_space<vmem>>) offsets(%dma_start3A_201 : memref<48xi32, #tpu.memory_space<vmem>>) semaphore(%arg12 : memref<!tpu.dma_semaphore, #tpu.memory_space<semaphore_mem>>)
      } else {
      }
    }
    %scan3A_51 = arith.constant 70 : i32
    %dma_wait3A = arith.constant 209 : i32
    %dma_wait3A_52 = arith.constant 96 : i32
    %dma_wait3A_53 = arith.constant 0 : i32
    %dma_wait3A_54 = tpu.memref_slice %arg9[%dma_wait3A_52, %dma_wait3A_53] : memref<144x128xf32, #tpu.memory_space<vmem>> -> memref<48x128xf32, #tpu.memory_space<vmem>>
    %dma_wait3A_55 = arith.constant 0 : i32
    %dma_wait3A_56 = tpu.memref_slice %arg8[%dma_wait3A, %dma_wait3A_55] : memref<210x48xi32, #tpu.memory_space<vmem>> -> memref<1x48xi32, #tpu.memory_space<vmem>>
    %dma_wait3A_57 = tpu.memref_squeeze %dma_wait3A_56 : memref<1x48xi32, #tpu.memory_space<vmem>> -> memref<48xi32, #tpu.memory_space<vmem>>
    %dma_wait3A_58 = arith.constant 0 : i32
    %dma_wait3A_59 = arith.constant 0 : i32
    %dma_wait3A_60 = tpu.memref_slice %arg10[%dma_wait3A_58, %dma_wait3A_59] : memref<10240x128xf32, #tpu.memory_space<vmem_shared>> -> memref<10240x128xf32, #tpu.memory_space<vmem_shared>>
    tpu.wait_indirect_dma semaphore(%arg16 : memref<!tpu.dma_semaphore, #tpu.memory_space<semaphore_mem>>) src(%dma_wait3A_54 : memref<48x128xf32, #tpu.memory_space<vmem>>) dst(%dma_wait3A_60 : memref<10240x128xf32, #tpu.memory_space<vmem_shared>>)
    %barrier3A_61 = arith.constant 0 : index
    tpu.barrier barrier_id(%barrier3A_61)
    "tpu.region"() ({
      %run_scoped3A = tpu.sem_alloc : memref<!tpu.dma_semaphore, #tpu.memory_space<semaphore_mem>>
      %dma_start3A_62 = arith.constant 0 : i32
      %dma_start3A_63 = tpu.memref_slice %arg5[%arg0, %mul3A_2, %dma_start3A_62] : memref<2x10240x128xf32, #tpu.memory_space<hbm>> -> memref<1x640x128xf32, #tpu.memory_space<hbm>>
      %dma_start3A_64 = tpu.memref_squeeze %dma_start3A_63 : memref<1x640x128xf32, #tpu.memory_space<hbm>> -> memref<640x128xf32, #tpu.memory_space<hbm>>
      %dma_start3A_65 = arith.constant 0 : i32
      %dma_start3A_66 = tpu.memref_slice %arg10[%mul3A_2, %dma_start3A_65] : memref<10240x128xf32, #tpu.memory_space<vmem_shared>> -> memref<640x128xf32, #tpu.memory_space<vmem_shared>>
      tpu.enqueue_dma source(%dma_start3A_66 : memref<640x128xf32, #tpu.memory_space<vmem_shared>>) target(%dma_start3A_64 : memref<640x128xf32, #tpu.memory_space<hbm>>) target_semaphore(%run_scoped3A : memref<!tpu.dma_semaphore, #tpu.memory_space<semaphore_mem>>)
      %dma_wait3A_67 = arith.constant 0 : i32
      %dma_wait3A_68 = tpu.memref_slice %arg5[%arg0, %mul3A_2, %dma_wait3A_67] : memref<2x10240x128xf32, #tpu.memory_space<hbm>> -> memref<1x640x128xf32, #tpu.memory_space<hbm>>
      %dma_wait3A_69 = tpu.memref_squeeze %dma_wait3A_68 : memref<1x640x128xf32, #tpu.memory_space<hbm>> -> memref<640x128xf32, #tpu.memory_space<hbm>>
      %dma_wait3A_70 = arith.constant 0 : i32
      %dma_wait3A_71 = tpu.memref_slice %arg10[%mul3A_2, %dma_wait3A_70] : memref<10240x128xf32, #tpu.memory_space<vmem_shared>> -> memref<640x128xf32, #tpu.memory_space<vmem_shared>>
      tpu.wait_dma2 semaphore(%run_scoped3A : memref<!tpu.dma_semaphore, #tpu.memory_space<semaphore_mem>>) src(%dma_wait3A_71 : memref<640x128xf32, #tpu.memory_space<vmem_shared>>) dst(%dma_wait3A_69 : memref<640x128xf32, #tpu.memory_space<hbm>>)
      tpu.yield
    }) : () -> ()
    "tpu.region"() ({
      %run_scoped3A = tpu.sem_alloc : memref<!tpu.dma_semaphore, #tpu.memory_space<semaphore_mem>>
      %dma_start3A_62 = arith.constant 0 : i32
      %dma_start3A_63 = tpu.memref_slice %arg6[%add3A, %dma_start3A_62] : memref<32x10240xf32, #tpu.memory_space<hbm>> -> memref<1x10240xf32, #tpu.memory_space<hbm>>
      %dma_start3A_64 = tpu.memref_squeeze %dma_start3A_63 : memref<1x10240xf32, #tpu.memory_space<hbm>> -> memref<10240xf32, #tpu.memory_space<hbm>>
      %dma_start3A_65 = arith.constant 0 : i32
      %dma_start3A_66 = tpu.memref_slice %arg6[%add3A, %dma_start3A_65] : memref<32x10240xf32, #tpu.memory_space<hbm>> -> memref<1x10240xf32, #tpu.memory_space<hbm>>
      %dma_start3A_67 = tpu.memref_squeeze %dma_start3A_66 : memref<1x10240xf32, #tpu.memory_space<hbm>> -> memref<10240xf32, #tpu.memory_space<hbm>>
      tpu.enqueue_dma source(%arg17 : memref<10240xf32, #tpu.memory_space<vmem>>) target(%dma_start3A_67 : memref<10240xf32, #tpu.memory_space<hbm>>) target_semaphore(%run_scoped3A : memref<!tpu.dma_semaphore, #tpu.memory_space<semaphore_mem>>)
      %dma_wait3A_68 = arith.constant 0 : i32
      %dma_wait3A_69 = tpu.memref_slice %arg6[%add3A, %dma_wait3A_68] : memref<32x10240xf32, #tpu.memory_space<hbm>> -> memref<1x10240xf32, #tpu.memory_space<hbm>>
      %dma_wait3A_70 = tpu.memref_squeeze %dma_wait3A_69 : memref<1x10240xf32, #tpu.memory_space<hbm>> -> memref<10240xf32, #tpu.memory_space<hbm>>
      %dma_wait3A_71 = arith.constant 0 : i32
      %dma_wait3A_72 = tpu.memref_slice %arg6[%add3A, %dma_wait3A_71] : memref<32x10240xf32, #tpu.memory_space<hbm>> -> memref<1x10240xf32, #tpu.memory_space<hbm>>
      %dma_wait3A_73 = tpu.memref_squeeze %dma_wait3A_72 : memref<1x10240xf32, #tpu.memory_space<hbm>> -> memref<10240xf32, #tpu.memory_space<hbm>>
      tpu.wait_dma2 semaphore(%run_scoped3A : memref<!tpu.dma_semaphore, #tpu.memory_space<semaphore_mem>>) src(%arg17 : memref<10240xf32, #tpu.memory_space<vmem>>) dst(%dma_wait3A_73 : memref<10240xf32, #tpu.memory_space<hbm>>)
      tpu.yield
    }) : () -> ()
    return
  }
}

#map = affine_map<(d0, d1) -> (0, 0)>
#map1 = affine_map<(d0, d1) -> (0, 0, 0)>
module attributes {stable_mosaic.version = 14 : i64} {
  func.func @body(%arg0: i32, %arg1: i32, %arg2: memref<10240x128xf32, #tpu.memory_space<hbm>>, %arg3: memref<32x210x48xi32, #tpu.memory_space<hbm>>, %arg4: memref<32x210x48xi32, #tpu.memory_space<hbm>>, %arg5: memref<2x10240x128xf32, #tpu.memory_space<hbm>>, %arg6: memref<210x48xi32, #tpu.memory_space<vmem>>, %arg7: memref<210x48xi32, #tpu.memory_space<vmem>>, %arg8: memref<144x128xf32, #tpu.memory_space<vmem>>, %arg9: memref<10240x128xf32, #tpu.memory_space<vmem_shared>>, %arg10: memref<!tpu.dma_semaphore, #tpu.memory_space<semaphore_mem>>, %arg11: memref<!tpu.dma_semaphore, #tpu.memory_space<semaphore_mem>>, %arg12: memref<!tpu.dma_semaphore, #tpu.memory_space<semaphore_mem>>, %arg13: memref<!tpu.dma_semaphore, #tpu.memory_space<semaphore_mem>>, %arg14: memref<!tpu.dma_semaphore, #tpu.memory_space<semaphore_mem>>, %arg15: memref<!tpu.dma_semaphore, #tpu.memory_space<semaphore_mem>>) attributes {dimension_semantics = [#tpu.dimension_semantics<core_parallel>, #tpu.dimension_semantics<subcore_parallel>], iteration_bounds = array<i64: 2, 16>, scalar_prefetch = 0 : i64, scratch_operands = 10 : i64, tpu.core_type = #tpu.core_type<sc_vector_subcore>, window_params = [{transform_indices = #map}, {transform_indices = #map1}, {transform_indices = #map1}, {transform_indices = #map1}]} {
    %mul3A = arith.constant 16 : i32
    %mul3A_0 = arith.muli %arg0, %mul3A : i32
    %add3A = arith.addi %mul3A_0, %arg1 : i32
    %mul3A_1 = arith.constant 640 : i32
    %mul3A_2 = arith.muli %arg1, %mul3A_1 : i32
    "tpu.region"() ({
      %run_scoped3A = tpu.sem_alloc : memref<!tpu.dma_semaphore, #tpu.memory_space<semaphore_mem>>
      %dma_start3A_56 = arith.constant 0 : i32
      %dma_start3A_57 = arith.constant 0 : i32
      %dma_start3A_58 = tpu.memref_slice %arg3[%add3A, %dma_start3A_56, %dma_start3A_57] : memref<32x210x48xi32, #tpu.memory_space<hbm>> -> memref<1x210x48xi32, #tpu.memory_space<hbm>>
      %dma_start3A_59 = tpu.memref_squeeze %dma_start3A_58 : memref<1x210x48xi32, #tpu.memory_space<hbm>> -> memref<210x48xi32, #tpu.memory_space<hbm>>
      %dma_start3A_60 = arith.constant 0 : i32
      %dma_start3A_61 = arith.constant 0 : i32
      %dma_start3A_62 = tpu.memref_slice %arg3[%add3A, %dma_start3A_60, %dma_start3A_61] : memref<32x210x48xi32, #tpu.memory_space<hbm>> -> memref<1x210x48xi32, #tpu.memory_space<hbm>>
      %dma_start3A_63 = tpu.memref_squeeze %dma_start3A_62 : memref<1x210x48xi32, #tpu.memory_space<hbm>> -> memref<210x48xi32, #tpu.memory_space<hbm>>
      tpu.enqueue_dma source(%dma_start3A_63 : memref<210x48xi32, #tpu.memory_space<hbm>>) target(%arg6 : memref<210x48xi32, #tpu.memory_space<vmem>>) target_semaphore(%run_scoped3A : memref<!tpu.dma_semaphore, #tpu.memory_space<semaphore_mem>>)
      %dma_wait3A_64 = arith.constant 0 : i32
      %dma_wait3A_65 = arith.constant 0 : i32
      %dma_wait3A_66 = tpu.memref_slice %arg3[%add3A, %dma_wait3A_64, %dma_wait3A_65] : memref<32x210x48xi32, #tpu.memory_space<hbm>> -> memref<1x210x48xi32, #tpu.memory_space<hbm>>
      %dma_wait3A_67 = tpu.memref_squeeze %dma_wait3A_66 : memref<1x210x48xi32, #tpu.memory_space<hbm>> -> memref<210x48xi32, #tpu.memory_space<hbm>>
      %dma_wait3A_68 = arith.constant 0 : i32
      %dma_wait3A_69 = arith.constant 0 : i32
      %dma_wait3A_70 = tpu.memref_slice %arg3[%add3A, %dma_wait3A_68, %dma_wait3A_69] : memref<32x210x48xi32, #tpu.memory_space<hbm>> -> memref<1x210x48xi32, #tpu.memory_space<hbm>>
      %dma_wait3A_71 = tpu.memref_squeeze %dma_wait3A_70 : memref<1x210x48xi32, #tpu.memory_space<hbm>> -> memref<210x48xi32, #tpu.memory_space<hbm>>
      tpu.wait_dma2 semaphore(%run_scoped3A : memref<!tpu.dma_semaphore, #tpu.memory_space<semaphore_mem>>) src(%dma_wait3A_71 : memref<210x48xi32, #tpu.memory_space<hbm>>) dst(%arg6 : memref<210x48xi32, #tpu.memory_space<vmem>>)
      tpu.yield
    }) : () -> ()
    "tpu.region"() ({
      %run_scoped3A = tpu.sem_alloc : memref<!tpu.dma_semaphore, #tpu.memory_space<semaphore_mem>>
      %dma_start3A_56 = arith.constant 0 : i32
      %dma_start3A_57 = arith.constant 0 : i32
      %dma_start3A_58 = tpu.memref_slice %arg4[%add3A, %dma_start3A_56, %dma_start3A_57] : memref<32x210x48xi32, #tpu.memory_space<hbm>> -> memref<1x210x48xi32, #tpu.memory_space<hbm>>
      %dma_start3A_59 = tpu.memref_squeeze %dma_start3A_58 : memref<1x210x48xi32, #tpu.memory_space<hbm>> -> memref<210x48xi32, #tpu.memory_space<hbm>>
      %dma_start3A_60 = arith.constant 0 : i32
      %dma_start3A_61 = arith.constant 0 : i32
      %dma_start3A_62 = tpu.memref_slice %arg4[%add3A, %dma_start3A_60, %dma_start3A_61] : memref<32x210x48xi32, #tpu.memory_space<hbm>> -> memref<1x210x48xi32, #tpu.memory_space<hbm>>
      %dma_start3A_63 = tpu.memref_squeeze %dma_start3A_62 : memref<1x210x48xi32, #tpu.memory_space<hbm>> -> memref<210x48xi32, #tpu.memory_space<hbm>>
      tpu.enqueue_dma source(%dma_start3A_63 : memref<210x48xi32, #tpu.memory_space<hbm>>) target(%arg7 : memref<210x48xi32, #tpu.memory_space<vmem>>) target_semaphore(%run_scoped3A : memref<!tpu.dma_semaphore, #tpu.memory_space<semaphore_mem>>)
      %dma_wait3A_64 = arith.constant 0 : i32
      %dma_wait3A_65 = arith.constant 0 : i32
      %dma_wait3A_66 = tpu.memref_slice %arg4[%add3A, %dma_wait3A_64, %dma_wait3A_65] : memref<32x210x48xi32, #tpu.memory_space<hbm>> -> memref<1x210x48xi32, #tpu.memory_space<hbm>>
      %dma_wait3A_67 = tpu.memref_squeeze %dma_wait3A_66 : memref<1x210x48xi32, #tpu.memory_space<hbm>> -> memref<210x48xi32, #tpu.memory_space<hbm>>
      %dma_wait3A_68 = arith.constant 0 : i32
      %dma_wait3A_69 = arith.constant 0 : i32
      %dma_wait3A_70 = tpu.memref_slice %arg4[%add3A, %dma_wait3A_68, %dma_wait3A_69] : memref<32x210x48xi32, #tpu.memory_space<hbm>> -> memref<1x210x48xi32, #tpu.memory_space<hbm>>
      %dma_wait3A_71 = tpu.memref_squeeze %dma_wait3A_70 : memref<1x210x48xi32, #tpu.memory_space<hbm>> -> memref<210x48xi32, #tpu.memory_space<hbm>>
      tpu.wait_dma2 semaphore(%run_scoped3A : memref<!tpu.dma_semaphore, #tpu.memory_space<semaphore_mem>>) src(%dma_wait3A_71 : memref<210x48xi32, #tpu.memory_space<hbm>>) dst(%arg7 : memref<210x48xi32, #tpu.memory_space<vmem>>)
      tpu.yield
    }) : () -> ()
    %broadcast_in_dim3A = arith.constant 0.000000e+00 : f32
    %broadcast_in_dim3A_3 = vector.broadcast %broadcast_in_dim3A : f32 to vector<16xf32>
    %scan3A = arith.constant 0 : i32
    %scan3A_4 = arith.constant 0 : i32
    %scan3A_5 = arith.constant 144 : i32
    %scan3A_6 = arith.addi %scan3A_4, %scan3A_5 : i32
    %scan3A_7 = arith.constant 1 : i32
    scf.for %scan3A_56 = %scan3A_4 to %scan3A_6 step %scan3A_7  : i32 {
      %swap3A = arith.index_cast %scan3A_56 : i32 to index
      %swap3A_57 = arith.constant 0 : index
      %swap3A_58 = tpu.vector_load %arg8[%swap3A, %swap3A_57] {strides = array<i32>} : memref<144x128xf32, #tpu.memory_space<vmem>>, vector<16xf32>,
      tpu.vector_store %arg8[%swap3A, %swap3A_57], %broadcast_in_dim3A_3 {strides = array<i32>} : memref<144x128xf32, #tpu.memory_space<vmem>>, vector<16xf32>,
      %swap3A_59 = arith.index_cast %scan3A_56 : i32 to index
      %swap3A_60 = arith.constant 16 : index
      %swap3A_61 = tpu.vector_load %arg8[%swap3A_59, %swap3A_60] {strides = array<i32>} : memref<144x128xf32, #tpu.memory_space<vmem>>, vector<16xf32>,
      tpu.vector_store %arg8[%swap3A_59, %swap3A_60], %broadcast_in_dim3A_3 {strides = array<i32>} : memref<144x128xf32, #tpu.memory_space<vmem>>, vector<16xf32>,
      %swap3A_62 = arith.index_cast %scan3A_56 : i32 to index
      %swap3A_63 = arith.constant 32 : index
      %swap3A_64 = tpu.vector_load %arg8[%swap3A_62, %swap3A_63] {strides = array<i32>} : memref<144x128xf32, #tpu.memory_space<vmem>>, vector<16xf32>,
      tpu.vector_store %arg8[%swap3A_62, %swap3A_63], %broadcast_in_dim3A_3 {strides = array<i32>} : memref<144x128xf32, #tpu.memory_space<vmem>>, vector<16xf32>,
      %swap3A_65 = arith.index_cast %scan3A_56 : i32 to index
      %swap3A_66 = arith.constant 48 : index
      %swap3A_67 = tpu.vector_load %arg8[%swap3A_65, %swap3A_66] {strides = array<i32>} : memref<144x128xf32, #tpu.memory_space<vmem>>, vector<16xf32>,
      tpu.vector_store %arg8[%swap3A_65, %swap3A_66], %broadcast_in_dim3A_3 {strides = array<i32>} : memref<144x128xf32, #tpu.memory_space<vmem>>, vector<16xf32>,
      %swap3A_68 = arith.index_cast %scan3A_56 : i32 to index
      %swap3A_69 = arith.constant 64 : index
      %swap3A_70 = tpu.vector_load %arg8[%swap3A_68, %swap3A_69] {strides = array<i32>} : memref<144x128xf32, #tpu.memory_space<vmem>>, vector<16xf32>,
      tpu.vector_store %arg8[%swap3A_68, %swap3A_69], %broadcast_in_dim3A_3 {strides = array<i32>} : memref<144x128xf32, #tpu.memory_space<vmem>>, vector<16xf32>,
      %swap3A_71 = arith.index_cast %scan3A_56 : i32 to index
      %swap3A_72 = arith.constant 80 : index
      %swap3A_73 = tpu.vector_load %arg8[%swap3A_71, %swap3A_72] {strides = array<i32>} : memref<144x128xf32, #tpu.memory_space<vmem>>, vector<16xf32>,
      tpu.vector_store %arg8[%swap3A_71, %swap3A_72], %broadcast_in_dim3A_3 {strides = array<i32>} : memref<144x128xf32, #tpu.memory_space<vmem>>, vector<16xf32>,
      %swap3A_74 = arith.index_cast %scan3A_56 : i32 to index
      %swap3A_75 = arith.constant 96 : index
      %swap3A_76 = tpu.vector_load %arg8[%swap3A_74, %swap3A_75] {strides = array<i32>} : memref<144x128xf32, #tpu.memory_space<vmem>>, vector<16xf32>,
      tpu.vector_store %arg8[%swap3A_74, %swap3A_75], %broadcast_in_dim3A_3 {strides = array<i32>} : memref<144x128xf32, #tpu.memory_space<vmem>>, vector<16xf32>,
      %swap3A_77 = arith.index_cast %scan3A_56 : i32 to index
      %swap3A_78 = arith.constant 112 : index
      %swap3A_79 = tpu.vector_load %arg8[%swap3A_77, %swap3A_78] {strides = array<i32>} : memref<144x128xf32, #tpu.memory_space<vmem>>, vector<16xf32>,
      tpu.vector_store %arg8[%swap3A_77, %swap3A_78], %broadcast_in_dim3A_3 {strides = array<i32>} : memref<144x128xf32, #tpu.memory_space<vmem>>, vector<16xf32>,
    }
    %scan3A_8 = arith.constant 144 : i32
    %add3A_9 = arith.constant 0 : i32
    %add3A_10 = arith.addi %mul3A_2, %add3A_9 : i32
    "tpu.region"() ({
      %run_scoped3A = tpu.sem_alloc : memref<!tpu.dma_semaphore, #tpu.memory_space<semaphore_mem>>
      %dma_start3A_56 = arith.constant 0 : i32
      %dma_start3A_57 = arith.constant 0 : i32
      %dma_start3A_58 = tpu.memref_slice %arg8[%dma_start3A_56, %dma_start3A_57] : memref<144x128xf32, #tpu.memory_space<vmem>> -> memref<128x128xf32, #tpu.memory_space<vmem>>
      %dma_start3A_59 = arith.constant 0 : i32
      %dma_start3A_60 = tpu.memref_slice %arg9[%add3A_10, %dma_start3A_59] : memref<10240x128xf32, #tpu.memory_space<vmem_shared>> -> memref<128x128xf32, #tpu.memory_space<vmem_shared>>
      %dma_start3A_61 = arith.constant 0 : i32
      %dma_start3A_62 = tpu.memref_slice %arg9[%add3A_10, %dma_start3A_61] : memref<10240x128xf32, #tpu.memory_space<vmem_shared>> -> memref<128x128xf32, #tpu.memory_space<vmem_shared>>
      %dma_start3A_63 = arith.constant 0 : i32
      %dma_start3A_64 = arith.constant 0 : i32
      %dma_start3A_65 = tpu.memref_slice %arg8[%dma_start3A_63, %dma_start3A_64] : memref<144x128xf32, #tpu.memory_space<vmem>> -> memref<128x128xf32, #tpu.memory_space<vmem>>
      tpu.enqueue_dma source(%dma_start3A_65 : memref<128x128xf32, #tpu.memory_space<vmem>>) target(%dma_start3A_62 : memref<128x128xf32, #tpu.memory_space<vmem_shared>>) target_semaphore(%run_scoped3A : memref<!tpu.dma_semaphore, #tpu.memory_space<semaphore_mem>>)
      %dma_wait3A_66 = arith.constant 0 : i32
      %dma_wait3A_67 = arith.constant 0 : i32
      %dma_wait3A_68 = tpu.memref_slice %arg8[%dma_wait3A_66, %dma_wait3A_67] : memref<144x128xf32, #tpu.memory_space<vmem>> -> memref<128x128xf32, #tpu.memory_space<vmem>>
      %dma_wait3A_69 = arith.constant 0 : i32
      %dma_wait3A_70 = tpu.memref_slice %arg9[%add3A_10, %dma_wait3A_69] : memref<10240x128xf32, #tpu.memory_space<vmem_shared>> -> memref<128x128xf32, #tpu.memory_space<vmem_shared>>
      %dma_wait3A_71 = arith.constant 0 : i32
      %dma_wait3A_72 = tpu.memref_slice %arg9[%add3A_10, %dma_wait3A_71] : memref<10240x128xf32, #tpu.memory_space<vmem_shared>> -> memref<128x128xf32, #tpu.memory_space<vmem_shared>>
      %dma_wait3A_73 = arith.constant 0 : i32
      %dma_wait3A_74 = arith.constant 0 : i32
      %dma_wait3A_75 = tpu.memref_slice %arg8[%dma_wait3A_73, %dma_wait3A_74] : memref<144x128xf32, #tpu.memory_space<vmem>> -> memref<128x128xf32, #tpu.memory_space<vmem>>
      tpu.wait_dma2 semaphore(%run_scoped3A : memref<!tpu.dma_semaphore, #tpu.memory_space<semaphore_mem>>) src(%dma_wait3A_75 : memref<128x128xf32, #tpu.memory_space<vmem>>) dst(%dma_wait3A_72 : memref<128x128xf32, #tpu.memory_space<vmem_shared>>)
      tpu.yield
    }) : () -> ()
    %add3A_11 = arith.constant 128 : i32
    %add3A_12 = arith.addi %mul3A_2, %add3A_11 : i32
    "tpu.region"() ({
      %run_scoped3A = tpu.sem_alloc : memref<!tpu.dma_semaphore, #tpu.memory_space<semaphore_mem>>
      %dma_start3A_56 = arith.constant 0 : i32
      %dma_start3A_57 = arith.constant 0 : i32
      %dma_start3A_58 = tpu.memref_slice %arg8[%dma_start3A_56, %dma_start3A_57] : memref<144x128xf32, #tpu.memory_space<vmem>> -> memref<128x128xf32, #tpu.memory_space<vmem>>
      %dma_start3A_59 = arith.constant 0 : i32
      %dma_start3A_60 = tpu.memref_slice %arg9[%add3A_12, %dma_start3A_59] : memref<10240x128xf32, #tpu.memory_space<vmem_shared>> -> memref<128x128xf32, #tpu.memory_space<vmem_shared>>
      %dma_start3A_61 = arith.constant 0 : i32
      %dma_start3A_62 = tpu.memref_slice %arg9[%add3A_12, %dma_start3A_61] : memref<10240x128xf32, #tpu.memory_space<vmem_shared>> -> memref<128x128xf32, #tpu.memory_space<vmem_shared>>
      %dma_start3A_63 = arith.constant 0 : i32
      %dma_start3A_64 = arith.constant 0 : i32
      %dma_start3A_65 = tpu.memref_slice %arg8[%dma_start3A_63, %dma_start3A_64] : memref<144x128xf32, #tpu.memory_space<vmem>> -> memref<128x128xf32, #tpu.memory_space<vmem>>
      tpu.enqueue_dma source(%dma_start3A_65 : memref<128x128xf32, #tpu.memory_space<vmem>>) target(%dma_start3A_62 : memref<128x128xf32, #tpu.memory_space<vmem_shared>>) target_semaphore(%run_scoped3A : memref<!tpu.dma_semaphore, #tpu.memory_space<semaphore_mem>>)
      %dma_wait3A_66 = arith.constant 0 : i32
      %dma_wait3A_67 = arith.constant 0 : i32
      %dma_wait3A_68 = tpu.memref_slice %arg8[%dma_wait3A_66, %dma_wait3A_67] : memref<144x128xf32, #tpu.memory_space<vmem>> -> memref<128x128xf32, #tpu.memory_space<vmem>>
      %dma_wait3A_69 = arith.constant 0 : i32
      %dma_wait3A_70 = tpu.memref_slice %arg9[%add3A_12, %dma_wait3A_69] : memref<10240x128xf32, #tpu.memory_space<vmem_shared>> -> memref<128x128xf32, #tpu.memory_space<vmem_shared>>
      %dma_wait3A_71 = arith.constant 0 : i32
      %dma_wait3A_72 = tpu.memref_slice %arg9[%add3A_12, %dma_wait3A_71] : memref<10240x128xf32, #tpu.memory_space<vmem_shared>> -> memref<128x128xf32, #tpu.memory_space<vmem_shared>>
      %dma_wait3A_73 = arith.constant 0 : i32
      %dma_wait3A_74 = arith.constant 0 : i32
      %dma_wait3A_75 = tpu.memref_slice %arg8[%dma_wait3A_73, %dma_wait3A_74] : memref<144x128xf32, #tpu.memory_space<vmem>> -> memref<128x128xf32, #tpu.memory_space<vmem>>
      tpu.wait_dma2 semaphore(%run_scoped3A : memref<!tpu.dma_semaphore, #tpu.memory_space<semaphore_mem>>) src(%dma_wait3A_75 : memref<128x128xf32, #tpu.memory_space<vmem>>) dst(%dma_wait3A_72 : memref<128x128xf32, #tpu.memory_space<vmem_shared>>)
      tpu.yield
    }) : () -> ()
    %add3A_13 = arith.constant 256 : i32
    %add3A_14 = arith.addi %mul3A_2, %add3A_13 : i32
    "tpu.region"() ({
      %run_scoped3A = tpu.sem_alloc : memref<!tpu.dma_semaphore, #tpu.memory_space<semaphore_mem>>
      %dma_start3A_56 = arith.constant 0 : i32
      %dma_start3A_57 = arith.constant 0 : i32
      %dma_start3A_58 = tpu.memref_slice %arg8[%dma_start3A_56, %dma_start3A_57] : memref<144x128xf32, #tpu.memory_space<vmem>> -> memref<128x128xf32, #tpu.memory_space<vmem>>
      %dma_start3A_59 = arith.constant 0 : i32
      %dma_start3A_60 = tpu.memref_slice %arg9[%add3A_14, %dma_start3A_59] : memref<10240x128xf32, #tpu.memory_space<vmem_shared>> -> memref<128x128xf32, #tpu.memory_space<vmem_shared>>
      %dma_start3A_61 = arith.constant 0 : i32
      %dma_start3A_62 = tpu.memref_slice %arg9[%add3A_14, %dma_start3A_61] : memref<10240x128xf32, #tpu.memory_space<vmem_shared>> -> memref<128x128xf32, #tpu.memory_space<vmem_shared>>
      %dma_start3A_63 = arith.constant 0 : i32
      %dma_start3A_64 = arith.constant 0 : i32
      %dma_start3A_65 = tpu.memref_slice %arg8[%dma_start3A_63, %dma_start3A_64] : memref<144x128xf32, #tpu.memory_space<vmem>> -> memref<128x128xf32, #tpu.memory_space<vmem>>
      tpu.enqueue_dma source(%dma_start3A_65 : memref<128x128xf32, #tpu.memory_space<vmem>>) target(%dma_start3A_62 : memref<128x128xf32, #tpu.memory_space<vmem_shared>>) target_semaphore(%run_scoped3A : memref<!tpu.dma_semaphore, #tpu.memory_space<semaphore_mem>>)
      %dma_wait3A_66 = arith.constant 0 : i32
      %dma_wait3A_67 = arith.constant 0 : i32
      %dma_wait3A_68 = tpu.memref_slice %arg8[%dma_wait3A_66, %dma_wait3A_67] : memref<144x128xf32, #tpu.memory_space<vmem>> -> memref<128x128xf32, #tpu.memory_space<vmem>>
      %dma_wait3A_69 = arith.constant 0 : i32
      %dma_wait3A_70 = tpu.memref_slice %arg9[%add3A_14, %dma_wait3A_69] : memref<10240x128xf32, #tpu.memory_space<vmem_shared>> -> memref<128x128xf32, #tpu.memory_space<vmem_shared>>
      %dma_wait3A_71 = arith.constant 0 : i32
      %dma_wait3A_72 = tpu.memref_slice %arg9[%add3A_14, %dma_wait3A_71] : memref<10240x128xf32, #tpu.memory_space<vmem_shared>> -> memref<128x128xf32, #tpu.memory_space<vmem_shared>>
      %dma_wait3A_73 = arith.constant 0 : i32
      %dma_wait3A_74 = arith.constant 0 : i32
      %dma_wait3A_75 = tpu.memref_slice %arg8[%dma_wait3A_73, %dma_wait3A_74] : memref<144x128xf32, #tpu.memory_space<vmem>> -> memref<128x128xf32, #tpu.memory_space<vmem>>
      tpu.wait_dma2 semaphore(%run_scoped3A : memref<!tpu.dma_semaphore, #tpu.memory_space<semaphore_mem>>) src(%dma_wait3A_75 : memref<128x128xf32, #tpu.memory_space<vmem>>) dst(%dma_wait3A_72 : memref<128x128xf32, #tpu.memory_space<vmem_shared>>)
      tpu.yield
    }) : () -> ()
    %add3A_15 = arith.constant 384 : i32
    %add3A_16 = arith.addi %mul3A_2, %add3A_15 : i32
    "tpu.region"() ({
      %run_scoped3A = tpu.sem_alloc : memref<!tpu.dma_semaphore, #tpu.memory_space<semaphore_mem>>
      %dma_start3A_56 = arith.constant 0 : i32
      %dma_start3A_57 = arith.constant 0 : i32
      %dma_start3A_58 = tpu.memref_slice %arg8[%dma_start3A_56, %dma_start3A_57] : memref<144x128xf32, #tpu.memory_space<vmem>> -> memref<128x128xf32, #tpu.memory_space<vmem>>
      %dma_start3A_59 = arith.constant 0 : i32
      %dma_start3A_60 = tpu.memref_slice %arg9[%add3A_16, %dma_start3A_59] : memref<10240x128xf32, #tpu.memory_space<vmem_shared>> -> memref<128x128xf32, #tpu.memory_space<vmem_shared>>
      %dma_start3A_61 = arith.constant 0 : i32
      %dma_start3A_62 = tpu.memref_slice %arg9[%add3A_16, %dma_start3A_61] : memref<10240x128xf32, #tpu.memory_space<vmem_shared>> -> memref<128x128xf32, #tpu.memory_space<vmem_shared>>
      %dma_start3A_63 = arith.constant 0 : i32
      %dma_start3A_64 = arith.constant 0 : i32
      %dma_start3A_65 = tpu.memref_slice %arg8[%dma_start3A_63, %dma_start3A_64] : memref<144x128xf32, #tpu.memory_space<vmem>> -> memref<128x128xf32, #tpu.memory_space<vmem>>
      tpu.enqueue_dma source(%dma_start3A_65 : memref<128x128xf32, #tpu.memory_space<vmem>>) target(%dma_start3A_62 : memref<128x128xf32, #tpu.memory_space<vmem_shared>>) target_semaphore(%run_scoped3A : memref<!tpu.dma_semaphore, #tpu.memory_space<semaphore_mem>>)
      %dma_wait3A_66 = arith.constant 0 : i32
      %dma_wait3A_67 = arith.constant 0 : i32
      %dma_wait3A_68 = tpu.memref_slice %arg8[%dma_wait3A_66, %dma_wait3A_67] : memref<144x128xf32, #tpu.memory_space<vmem>> -> memref<128x128xf32, #tpu.memory_space<vmem>>
      %dma_wait3A_69 = arith.constant 0 : i32
      %dma_wait3A_70 = tpu.memref_slice %arg9[%add3A_16, %dma_wait3A_69] : memref<10240x128xf32, #tpu.memory_space<vmem_shared>> -> memref<128x128xf32, #tpu.memory_space<vmem_shared>>
      %dma_wait3A_71 = arith.constant 0 : i32
      %dma_wait3A_72 = tpu.memref_slice %arg9[%add3A_16, %dma_wait3A_71] : memref<10240x128xf32, #tpu.memory_space<vmem_shared>> -> memref<128x128xf32, #tpu.memory_space<vmem_shared>>
      %dma_wait3A_73 = arith.constant 0 : i32
      %dma_wait3A_74 = arith.constant 0 : i32
      %dma_wait3A_75 = tpu.memref_slice %arg8[%dma_wait3A_73, %dma_wait3A_74] : memref<144x128xf32, #tpu.memory_space<vmem>> -> memref<128x128xf32, #tpu.memory_space<vmem>>
      tpu.wait_dma2 semaphore(%run_scoped3A : memref<!tpu.dma_semaphore, #tpu.memory_space<semaphore_mem>>) src(%dma_wait3A_75 : memref<128x128xf32, #tpu.memory_space<vmem>>) dst(%dma_wait3A_72 : memref<128x128xf32, #tpu.memory_space<vmem_shared>>)
      tpu.yield
    }) : () -> ()
    %add3A_17 = arith.constant 512 : i32
    %add3A_18 = arith.addi %mul3A_2, %add3A_17 : i32
    "tpu.region"() ({
      %run_scoped3A = tpu.sem_alloc : memref<!tpu.dma_semaphore, #tpu.memory_space<semaphore_mem>>
      %dma_start3A_56 = arith.constant 0 : i32
      %dma_start3A_57 = arith.constant 0 : i32
      %dma_start3A_58 = tpu.memref_slice %arg8[%dma_start3A_56, %dma_start3A_57] : memref<144x128xf32, #tpu.memory_space<vmem>> -> memref<128x128xf32, #tpu.memory_space<vmem>>
      %dma_start3A_59 = arith.constant 0 : i32
      %dma_start3A_60 = tpu.memref_slice %arg9[%add3A_18, %dma_start3A_59] : memref<10240x128xf32, #tpu.memory_space<vmem_shared>> -> memref<128x128xf32, #tpu.memory_space<vmem_shared>>
      %dma_start3A_61 = arith.constant 0 : i32
      %dma_start3A_62 = tpu.memref_slice %arg9[%add3A_18, %dma_start3A_61] : memref<10240x128xf32, #tpu.memory_space<vmem_shared>> -> memref<128x128xf32, #tpu.memory_space<vmem_shared>>
      %dma_start3A_63 = arith.constant 0 : i32
      %dma_start3A_64 = arith.constant 0 : i32
      %dma_start3A_65 = tpu.memref_slice %arg8[%dma_start3A_63, %dma_start3A_64] : memref<144x128xf32, #tpu.memory_space<vmem>> -> memref<128x128xf32, #tpu.memory_space<vmem>>
      tpu.enqueue_dma source(%dma_start3A_65 : memref<128x128xf32, #tpu.memory_space<vmem>>) target(%dma_start3A_62 : memref<128x128xf32, #tpu.memory_space<vmem_shared>>) target_semaphore(%run_scoped3A : memref<!tpu.dma_semaphore, #tpu.memory_space<semaphore_mem>>)
      %dma_wait3A_66 = arith.constant 0 : i32
      %dma_wait3A_67 = arith.constant 0 : i32
      %dma_wait3A_68 = tpu.memref_slice %arg8[%dma_wait3A_66, %dma_wait3A_67] : memref<144x128xf32, #tpu.memory_space<vmem>> -> memref<128x128xf32, #tpu.memory_space<vmem>>
      %dma_wait3A_69 = arith.constant 0 : i32
      %dma_wait3A_70 = tpu.memref_slice %arg9[%add3A_18, %dma_wait3A_69] : memref<10240x128xf32, #tpu.memory_space<vmem_shared>> -> memref<128x128xf32, #tpu.memory_space<vmem_shared>>
      %dma_wait3A_71 = arith.constant 0 : i32
      %dma_wait3A_72 = tpu.memref_slice %arg9[%add3A_18, %dma_wait3A_71] : memref<10240x128xf32, #tpu.memory_space<vmem_shared>> -> memref<128x128xf32, #tpu.memory_space<vmem_shared>>
      %dma_wait3A_73 = arith.constant 0 : i32
      %dma_wait3A_74 = arith.constant 0 : i32
      %dma_wait3A_75 = tpu.memref_slice %arg8[%dma_wait3A_73, %dma_wait3A_74] : memref<144x128xf32, #tpu.memory_space<vmem>> -> memref<128x128xf32, #tpu.memory_space<vmem>>
      tpu.wait_dma2 semaphore(%run_scoped3A : memref<!tpu.dma_semaphore, #tpu.memory_space<semaphore_mem>>) src(%dma_wait3A_75 : memref<128x128xf32, #tpu.memory_space<vmem>>) dst(%dma_wait3A_72 : memref<128x128xf32, #tpu.memory_space<vmem_shared>>)
      tpu.yield
    }) : () -> ()
    %barrier3A = arith.constant 0 : index
    tpu.barrier barrier_id(%barrier3A)
    %broadcast_in_dim3A_19 = arith.constant 1.000000e+00 : f32
    %broadcast_in_dim3A_20 = vector.broadcast %broadcast_in_dim3A_19 : f32 to vector<16xf32>
    %dma_start3A = arith.constant 0 : i32
    %dma_start3A_21 = arith.constant 0 : i32
    %dma_start3A_22 = arith.constant 0 : i32
    %dma_start3A_23 = tpu.memref_slice %arg8[%dma_start3A_21, %dma_start3A_22] : memref<144x128xf32, #tpu.memory_space<vmem>> -> memref<48x128xf32, #tpu.memory_space<vmem>>
    %dma_start3A_24 = arith.constant 0 : i32
    %dma_start3A_25 = tpu.memref_slice %arg6[%dma_start3A, %dma_start3A_24] : memref<210x48xi32, #tpu.memory_space<vmem>> -> memref<1x48xi32, #tpu.memory_space<vmem>>
    %dma_start3A_26 = tpu.memref_squeeze %dma_start3A_25 : memref<1x48xi32, #tpu.memory_space<vmem>> -> memref<48xi32, #tpu.memory_space<vmem>>
    %dma_start3A_27 = arith.constant 0 : i32
    %dma_start3A_28 = arith.constant 0 : i32
    %dma_start3A_29 = tpu.memref_slice %arg2[%dma_start3A_27, %dma_start3A_28] : memref<10240x128xf32, #tpu.memory_space<hbm>> -> memref<10240x128xf32, #tpu.memory_space<hbm>>
    tpu.enqueue_indirect_dma source(%dma_start3A_29 : memref<10240x128xf32, #tpu.memory_space<hbm>>) target(%dma_start3A_23 : memref<48x128xf32, #tpu.memory_space<vmem>>) offsets(%dma_start3A_26 : memref<48xi32, #tpu.memory_space<vmem>>) semaphore(%arg10 : memref<!tpu.dma_semaphore, #tpu.memory_space<semaphore_mem>>)
    %dma_start3A_30 = arith.constant 1 : i32
    %dma_start3A_31 = arith.constant 48 : i32
    %dma_start3A_32 = arith.constant 0 : i32
    %dma_start3A_33 = tpu.memref_slice %arg8[%dma_start3A_31, %dma_start3A_32] : memref<144x128xf32, #tpu.memory_space<vmem>> -> memref<48x128xf32, #tpu.memory_space<vmem>>
    %dma_start3A_34 = arith.constant 0 : i32
    %dma_start3A_35 = tpu.memref_slice %arg6[%dma_start3A_30, %dma_start3A_34] : memref<210x48xi32, #tpu.memory_space<vmem>> -> memref<1x48xi32, #tpu.memory_space<vmem>>
    %dma_start3A_36 = tpu.memref_squeeze %dma_start3A_35 : memref<1x48xi32, #tpu.memory_space<vmem>> -> memref<48xi32, #tpu.memory_space<vmem>>
    %dma_start3A_37 = arith.constant 0 : i32
    %dma_start3A_38 = arith.constant 0 : i32
    %dma_start3A_39 = tpu.memref_slice %arg2[%dma_start3A_37, %dma_start3A_38] : memref<10240x128xf32, #tpu.memory_space<hbm>> -> memref<10240x128xf32, #tpu.memory_space<hbm>>
    tpu.enqueue_indirect_dma source(%dma_start3A_39 : memref<10240x128xf32, #tpu.memory_space<hbm>>) target(%dma_start3A_33 : memref<48x128xf32, #tpu.memory_space<vmem>>) offsets(%dma_start3A_36 : memref<48xi32, #tpu.memory_space<vmem>>) semaphore(%arg11 : memref<!tpu.dma_semaphore, #tpu.memory_space<semaphore_mem>>)
    %scan3A_40 = arith.constant 0 : i32
    %scan3A_41 = arith.constant 0 : i32
    %scan3A_42 = arith.constant 70 : i32
    %scan3A_43 = arith.addi %scan3A_41, %scan3A_42 : i32
    %scan3A_44 = arith.constant 1 : i32
    scf.for %scan3A_56 = %scan3A_41 to %scan3A_43 step %scan3A_44  : i32 {
      %mul3A_57 = arith.constant 3 : i32
      %mul3A_58 = arith.muli %mul3A_57, %scan3A_56 : i32
      %add3A_59 = arith.constant 0 : i32
      %add3A_60 = arith.addi %mul3A_58, %add3A_59 : i32
      %dma_wait3A_61 = arith.constant 0 : i32
      %dma_wait3A_62 = arith.constant 0 : i32
      %dma_wait3A_63 = tpu.memref_slice %arg8[%dma_wait3A_61, %dma_wait3A_62] : memref<144x128xf32, #tpu.memory_space<vmem>> -> memref<48x128xf32, #tpu.memory_space<vmem>>
      %dma_wait3A_64 = arith.constant 0 : i32
      %dma_wait3A_65 = tpu.memref_slice %arg6[%add3A_60, %dma_wait3A_64] : memref<210x48xi32, #tpu.memory_space<vmem>> -> memref<1x48xi32, #tpu.memory_space<vmem>>
      %dma_wait3A_66 = tpu.memref_squeeze %dma_wait3A_65 : memref<1x48xi32, #tpu.memory_space<vmem>> -> memref<48xi32, #tpu.memory_space<vmem>>
      %dma_wait3A_67 = arith.constant 0 : i32
      %dma_wait3A_68 = arith.constant 0 : i32
      %dma_wait3A_69 = tpu.memref_slice %arg2[%dma_wait3A_67, %dma_wait3A_68] : memref<10240x128xf32, #tpu.memory_space<hbm>> -> memref<10240x128xf32, #tpu.memory_space<hbm>>
      tpu.wait_indirect_dma semaphore(%arg10 : memref<!tpu.dma_semaphore, #tpu.memory_space<semaphore_mem>>) src(%dma_wait3A_69 : memref<10240x128xf32, #tpu.memory_space<hbm>>) dst(%dma_wait3A_63 : memref<48x128xf32, #tpu.memory_space<vmem>>)
      %dma_start3A_70 = arith.constant 0 : i32
      %dma_start3A_71 = arith.constant 0 : i32
      %dma_start3A_72 = tpu.memref_slice %arg8[%dma_start3A_70, %dma_start3A_71] : memref<144x128xf32, #tpu.memory_space<vmem>> -> memref<48x128xf32, #tpu.memory_space<vmem>>
      %dma_start3A_73 = arith.constant 0 : i32
      %dma_start3A_74 = tpu.memref_slice %arg7[%add3A_60, %dma_start3A_73] : memref<210x48xi32, #tpu.memory_space<vmem>> -> memref<1x48xi32, #tpu.memory_space<vmem>>
      %dma_start3A_75 = tpu.memref_squeeze %dma_start3A_74 : memref<1x48xi32, #tpu.memory_space<vmem>> -> memref<48xi32, #tpu.memory_space<vmem>>
      %dma_start3A_76 = arith.constant 0 : i32
      %dma_start3A_77 = arith.constant 0 : i32
      %dma_start3A_78 = tpu.memref_slice %arg9[%dma_start3A_76, %dma_start3A_77] : memref<10240x128xf32, #tpu.memory_space<vmem_shared>> -> memref<10240x128xf32, #tpu.memory_space<vmem_shared>>
      tpu.enqueue_indirect_dma source(%dma_start3A_72 : memref<48x128xf32, #tpu.memory_space<vmem>>) target(%dma_start3A_78 : memref<10240x128xf32, #tpu.memory_space<vmem_shared>>) offsets(%dma_start3A_75 : memref<48xi32, #tpu.memory_space<vmem>>) semaphore(%arg13 : memref<!tpu.dma_semaphore, #tpu.memory_space<semaphore_mem>>) {add = true}
      %add3A_79 = arith.constant 2 : i32
      %add3A_80 = arith.addi %add3A_60, %add3A_79 : i32
      %sub3A = arith.constant 3 : i32
      %sub3A_81 = arith.subi %add3A_80, %sub3A : i32
      %ge3A = arith.constant 0 : i32
      %ge3A_82 = arith.cmpi sge, %sub3A_81, %ge3A : i32
      %convert_element_type3A = arith.extui %ge3A_82 : i1 to i32
      %cond3A = arith.constant 0 : i32
      %cond3A_83 = arith.cmpi ne, %convert_element_type3A, %cond3A : i32
      scf.if %cond3A_83 {
        %dma_wait3A_162 = arith.constant 96 : i32
        %dma_wait3A_163 = arith.constant 0 : i32
        %dma_wait3A_164 = tpu.memref_slice %arg8[%dma_wait3A_162, %dma_wait3A_163] : memref<144x128xf32, #tpu.memory_space<vmem>> -> memref<48x128xf32, #tpu.memory_space<vmem>>
        %dma_wait3A_165 = arith.constant 0 : i32
        %dma_wait3A_166 = tpu.memref_slice %arg7[%sub3A_81, %dma_wait3A_165] : memref<210x48xi32, #tpu.memory_space<vmem>> -> memref<1x48xi32, #tpu.memory_space<vmem>>
        %dma_wait3A_167 = tpu.memref_squeeze %dma_wait3A_166 : memref<1x48xi32, #tpu.memory_space<vmem>> -> memref<48xi32, #tpu.memory_space<vmem>>
        %dma_wait3A_168 = arith.constant 0 : i32
        %dma_wait3A_169 = arith.constant 0 : i32
        %dma_wait3A_170 = tpu.memref_slice %arg9[%dma_wait3A_168, %dma_wait3A_169] : memref<10240x128xf32, #tpu.memory_space<vmem_shared>> -> memref<10240x128xf32, #tpu.memory_space<vmem_shared>>
        tpu.wait_indirect_dma semaphore(%arg15 : memref<!tpu.dma_semaphore, #tpu.memory_space<semaphore_mem>>) src(%dma_wait3A_164 : memref<48x128xf32, #tpu.memory_space<vmem>>) dst(%dma_wait3A_170 : memref<10240x128xf32, #tpu.memory_space<vmem_shared>>)
      } else {
      }
      %add3A_84 = arith.constant 2 : i32
      %add3A_85 = arith.addi %add3A_60, %add3A_84 : i32
      %lt3A = arith.constant 210 : i32
      %lt3A_86 = arith.cmpi slt, %add3A_85, %lt3A : i32
      %convert_element_type3A_87 = arith.extui %lt3A_86 : i1 to i32
      %cond3A_88 = arith.constant 0 : i32
      %cond3A_89 = arith.cmpi ne, %convert_element_type3A_87, %cond3A_88 : i32
      scf.if %cond3A_89 {
        %add3A_162 = arith.constant 2 : i32
        %add3A_163 = arith.addi %add3A_60, %add3A_162 : i32
        %dma_start3A_164 = arith.constant 96 : i32
        %dma_start3A_165 = arith.constant 0 : i32
        %dma_start3A_166 = tpu.memref_slice %arg8[%dma_start3A_164, %dma_start3A_165] : memref<144x128xf32, #tpu.memory_space<vmem>> -> memref<48x128xf32, #tpu.memory_space<vmem>>
        %dma_start3A_167 = arith.constant 0 : i32
        %dma_start3A_168 = tpu.memref_slice %arg6[%add3A_163, %dma_start3A_167] : memref<210x48xi32, #tpu.memory_space<vmem>> -> memref<1x48xi32, #tpu.memory_space<vmem>>
        %dma_start3A_169 = tpu.memref_squeeze %dma_start3A_168 : memref<1x48xi32, #tpu.memory_space<vmem>> -> memref<48xi32, #tpu.memory_space<vmem>>
        %dma_start3A_170 = arith.constant 0 : i32
        %dma_start3A_171 = arith.constant 0 : i32
        %dma_start3A_172 = tpu.memref_slice %arg2[%dma_start3A_170, %dma_start3A_171] : memref<10240x128xf32, #tpu.memory_space<hbm>> -> memref<10240x128xf32, #tpu.memory_space<hbm>>
        tpu.enqueue_indirect_dma source(%dma_start3A_172 : memref<10240x128xf32, #tpu.memory_space<hbm>>) target(%dma_start3A_166 : memref<48x128xf32, #tpu.memory_space<vmem>>) offsets(%dma_start3A_169 : memref<48xi32, #tpu.memory_space<vmem>>) semaphore(%arg12 : memref<!tpu.dma_semaphore, #tpu.memory_space<semaphore_mem>>)
      } else {
      }
      %add3A_90 = arith.constant 1 : i32
      %add3A_91 = arith.addi %mul3A_58, %add3A_90 : i32
      %dma_wait3A_92 = arith.constant 48 : i32
      %dma_wait3A_93 = arith.constant 0 : i32
      %dma_wait3A_94 = tpu.memref_slice %arg8[%dma_wait3A_92, %dma_wait3A_93] : memref<144x128xf32, #tpu.memory_space<vmem>> -> memref<48x128xf32, #tpu.memory_space<vmem>>
      %dma_wait3A_95 = arith.constant 0 : i32
      %dma_wait3A_96 = tpu.memref_slice %arg6[%add3A_91, %dma_wait3A_95] : memref<210x48xi32, #tpu.memory_space<vmem>> -> memref<1x48xi32, #tpu.memory_space<vmem>>
      %dma_wait3A_97 = tpu.memref_squeeze %dma_wait3A_96 : memref<1x48xi32, #tpu.memory_space<vmem>> -> memref<48xi32, #tpu.memory_space<vmem>>
      %dma_wait3A_98 = arith.constant 0 : i32
      %dma_wait3A_99 = arith.constant 0 : i32
      %dma_wait3A_100 = tpu.memref_slice %arg2[%dma_wait3A_98, %dma_wait3A_99] : memref<10240x128xf32, #tpu.memory_space<hbm>> -> memref<10240x128xf32, #tpu.memory_space<hbm>>
      tpu.wait_indirect_dma semaphore(%arg11 : memref<!tpu.dma_semaphore, #tpu.memory_space<semaphore_mem>>) src(%dma_wait3A_100 : memref<10240x128xf32, #tpu.memory_space<hbm>>) dst(%dma_wait3A_94 : memref<48x128xf32, #tpu.memory_space<vmem>>)
      %dma_start3A_101 = arith.constant 48 : i32
      %dma_start3A_102 = arith.constant 0 : i32
      %dma_start3A_103 = tpu.memref_slice %arg8[%dma_start3A_101, %dma_start3A_102] : memref<144x128xf32, #tpu.memory_space<vmem>> -> memref<48x128xf32, #tpu.memory_space<vmem>>
      %dma_start3A_104 = arith.constant 0 : i32
      %dma_start3A_105 = tpu.memref_slice %arg7[%add3A_91, %dma_start3A_104] : memref<210x48xi32, #tpu.memory_space<vmem>> -> memref<1x48xi32, #tpu.memory_space<vmem>>
      %dma_start3A_106 = tpu.memref_squeeze %dma_start3A_105 : memref<1x48xi32, #tpu.memory_space<vmem>> -> memref<48xi32, #tpu.memory_space<vmem>>
      %dma_start3A_107 = arith.constant 0 : i32
      %dma_start3A_108 = arith.constant 0 : i32
      %dma_start3A_109 = tpu.memref_slice %arg9[%dma_start3A_107, %dma_start3A_108] : memref<10240x128xf32, #tpu.memory_space<vmem_shared>> -> memref<10240x128xf32, #tpu.memory_space<vmem_shared>>
      tpu.enqueue_indirect_dma source(%dma_start3A_103 : memref<48x128xf32, #tpu.memory_space<vmem>>) target(%dma_start3A_109 : memref<10240x128xf32, #tpu.memory_space<vmem_shared>>) offsets(%dma_start3A_106 : memref<48xi32, #tpu.memory_space<vmem>>) semaphore(%arg14 : memref<!tpu.dma_semaphore, #tpu.memory_space<semaphore_mem>>) {add = true}
      %add3A_110 = arith.constant 2 : i32
      %add3A_111 = arith.addi %add3A_91, %add3A_110 : i32
      %sub3A_112 = arith.constant 3 : i32
      %sub3A_113 = arith.subi %add3A_111, %sub3A_112 : i32
      %ge3A_114 = arith.constant 0 : i32
      %ge3A_115 = arith.cmpi sge, %sub3A_113, %ge3A_114 : i32
      %convert_element_type3A_116 = arith.extui %ge3A_115 : i1 to i32
      %cond3A_117 = arith.constant 0 : i32
      %cond3A_118 = arith.cmpi ne, %convert_element_type3A_116, %cond3A_117 : i32
      scf.if %cond3A_118 {
        %dma_wait3A_162 = arith.constant 0 : i32
        %dma_wait3A_163 = arith.constant 0 : i32
        %dma_wait3A_164 = tpu.memref_slice %arg8[%dma_wait3A_162, %dma_wait3A_163] : memref<144x128xf32, #tpu.memory_space<vmem>> -> memref<48x128xf32, #tpu.memory_space<vmem>>
        %dma_wait3A_165 = arith.constant 0 : i32
        %dma_wait3A_166 = tpu.memref_slice %arg7[%sub3A_113, %dma_wait3A_165] : memref<210x48xi32, #tpu.memory_space<vmem>> -> memref<1x48xi32, #tpu.memory_space<vmem>>
        %dma_wait3A_167 = tpu.memref_squeeze %dma_wait3A_166 : memref<1x48xi32, #tpu.memory_space<vmem>> -> memref<48xi32, #tpu.memory_space<vmem>>
        %dma_wait3A_168 = arith.constant 0 : i32
        %dma_wait3A_169 = arith.constant 0 : i32
        %dma_wait3A_170 = tpu.memref_slice %arg9[%dma_wait3A_168, %dma_wait3A_169] : memref<10240x128xf32, #tpu.memory_space<vmem_shared>> -> memref<10240x128xf32, #tpu.memory_space<vmem_shared>>
        tpu.wait_indirect_dma semaphore(%arg13 : memref<!tpu.dma_semaphore, #tpu.memory_space<semaphore_mem>>) src(%dma_wait3A_164 : memref<48x128xf32, #tpu.memory_space<vmem>>) dst(%dma_wait3A_170 : memref<10240x128xf32, #tpu.memory_space<vmem_shared>>)
      } else {
      }
      %add3A_119 = arith.constant 2 : i32
      %add3A_120 = arith.addi %add3A_91, %add3A_119 : i32
      %lt3A_121 = arith.constant 210 : i32
      %lt3A_122 = arith.cmpi slt, %add3A_120, %lt3A_121 : i32
      %convert_element_type3A_123 = arith.extui %lt3A_122 : i1 to i32
      %cond3A_124 = arith.constant 0 : i32
      %cond3A_125 = arith.cmpi ne, %convert_element_type3A_123, %cond3A_124 : i32
      scf.if %cond3A_125 {
        %add3A_162 = arith.constant 2 : i32
        %add3A_163 = arith.addi %add3A_91, %add3A_162 : i32
        %dma_start3A_164 = arith.constant 0 : i32
        %dma_start3A_165 = arith.constant 0 : i32
        %dma_start3A_166 = tpu.memref_slice %arg8[%dma_start3A_164, %dma_start3A_165] : memref<144x128xf32, #tpu.memory_space<vmem>> -> memref<48x128xf32, #tpu.memory_space<vmem>>
        %dma_start3A_167 = arith.constant 0 : i32
        %dma_start3A_168 = tpu.memref_slice %arg6[%add3A_163, %dma_start3A_167] : memref<210x48xi32, #tpu.memory_space<vmem>> -> memref<1x48xi32, #tpu.memory_space<vmem>>
        %dma_start3A_169 = tpu.memref_squeeze %dma_start3A_168 : memref<1x48xi32, #tpu.memory_space<vmem>> -> memref<48xi32, #tpu.memory_space<vmem>>
        %dma_start3A_170 = arith.constant 0 : i32
        %dma_start3A_171 = arith.constant 0 : i32
        %dma_start3A_172 = tpu.memref_slice %arg2[%dma_start3A_170, %dma_start3A_171] : memref<10240x128xf32, #tpu.memory_space<hbm>> -> memref<10240x128xf32, #tpu.memory_space<hbm>>
        tpu.enqueue_indirect_dma source(%dma_start3A_172 : memref<10240x128xf32, #tpu.memory_space<hbm>>) target(%dma_start3A_166 : memref<48x128xf32, #tpu.memory_space<vmem>>) offsets(%dma_start3A_169 : memref<48xi32, #tpu.memory_space<vmem>>) semaphore(%arg10 : memref<!tpu.dma_semaphore, #tpu.memory_space<semaphore_mem>>)
      } else {
      }
      %add3A_126 = arith.constant 2 : i32
      %add3A_127 = arith.addi %mul3A_58, %add3A_126 : i32
      %dma_wait3A_128 = arith.constant 96 : i32
      %dma_wait3A_129 = arith.constant 0 : i32
      %dma_wait3A_130 = tpu.memref_slice %arg8[%dma_wait3A_128, %dma_wait3A_129] : memref<144x128xf32, #tpu.memory_space<vmem>> -> memref<48x128xf32, #tpu.memory_space<vmem>>
      %dma_wait3A_131 = arith.constant 0 : i32
      %dma_wait3A_132 = tpu.memref_slice %arg6[%add3A_127, %dma_wait3A_131] : memref<210x48xi32, #tpu.memory_space<vmem>> -> memref<1x48xi32, #tpu.memory_space<vmem>>
      %dma_wait3A_133 = tpu.memref_squeeze %dma_wait3A_132 : memref<1x48xi32, #tpu.memory_space<vmem>> -> memref<48xi32, #tpu.memory_space<vmem>>
      %dma_wait3A_134 = arith.constant 0 : i32
      %dma_wait3A_135 = arith.constant 0 : i32
      %dma_wait3A_136 = tpu.memref_slice %arg2[%dma_wait3A_134, %dma_wait3A_135] : memref<10240x128xf32, #tpu.memory_space<hbm>> -> memref<10240x128xf32, #tpu.memory_space<hbm>>
      tpu.wait_indirect_dma semaphore(%arg12 : memref<!tpu.dma_semaphore, #tpu.memory_space<semaphore_mem>>) src(%dma_wait3A_136 : memref<10240x128xf32, #tpu.memory_space<hbm>>) dst(%dma_wait3A_130 : memref<48x128xf32, #tpu.memory_space<vmem>>)
      %dma_start3A_137 = arith.constant 96 : i32
      %dma_start3A_138 = arith.constant 0 : i32
      %dma_start3A_139 = tpu.memref_slice %arg8[%dma_start3A_137, %dma_start3A_138] : memref<144x128xf32, #tpu.memory_space<vmem>> -> memref<48x128xf32, #tpu.memory_space<vmem>>
      %dma_start3A_140 = arith.constant 0 : i32
      %dma_start3A_141 = tpu.memref_slice %arg7[%add3A_127, %dma_start3A_140] : memref<210x48xi32, #tpu.memory_space<vmem>> -> memref<1x48xi32, #tpu.memory_space<vmem>>
      %dma_start3A_142 = tpu.memref_squeeze %dma_start3A_141 : memref<1x48xi32, #tpu.memory_space<vmem>> -> memref<48xi32, #tpu.memory_space<vmem>>
      %dma_start3A_143 = arith.constant 0 : i32
      %dma_start3A_144 = arith.constant 0 : i32
      %dma_start3A_145 = tpu.memref_slice %arg9[%dma_start3A_143, %dma_start3A_144] : memref<10240x128xf32, #tpu.memory_space<vmem_shared>> -> memref<10240x128xf32, #tpu.memory_space<vmem_shared>>
      tpu.enqueue_indirect_dma source(%dma_start3A_139 : memref<48x128xf32, #tpu.memory_space<vmem>>) target(%dma_start3A_145 : memref<10240x128xf32, #tpu.memory_space<vmem_shared>>) offsets(%dma_start3A_142 : memref<48xi32, #tpu.memory_space<vmem>>) semaphore(%arg15 : memref<!tpu.dma_semaphore, #tpu.memory_space<semaphore_mem>>) {add = true}
      %add3A_146 = arith.constant 2 : i32
      %add3A_147 = arith.addi %add3A_127, %add3A_146 : i32
      %sub3A_148 = arith.constant 3 : i32
      %sub3A_149 = arith.subi %add3A_147, %sub3A_148 : i32
      %ge3A_150 = arith.constant 0 : i32
      %ge3A_151 = arith.cmpi sge, %sub3A_149, %ge3A_150 : i32
      %convert_element_type3A_152 = arith.extui %ge3A_151 : i1 to i32
      %cond3A_153 = arith.constant 0 : i32
      %cond3A_154 = arith.cmpi ne, %convert_element_type3A_152, %cond3A_153 : i32
      scf.if %cond3A_154 {
        %dma_wait3A_162 = arith.constant 48 : i32
        %dma_wait3A_163 = arith.constant 0 : i32
        %dma_wait3A_164 = tpu.memref_slice %arg8[%dma_wait3A_162, %dma_wait3A_163] : memref<144x128xf32, #tpu.memory_space<vmem>> -> memref<48x128xf32, #tpu.memory_space<vmem>>
        %dma_wait3A_165 = arith.constant 0 : i32
        %dma_wait3A_166 = tpu.memref_slice %arg7[%sub3A_149, %dma_wait3A_165] : memref<210x48xi32, #tpu.memory_space<vmem>> -> memref<1x48xi32, #tpu.memory_space<vmem>>
        %dma_wait3A_167 = tpu.memref_squeeze %dma_wait3A_166 : memref<1x48xi32, #tpu.memory_space<vmem>> -> memref<48xi32, #tpu.memory_space<vmem>>
        %dma_wait3A_168 = arith.constant 0 : i32
        %dma_wait3A_169 = arith.constant 0 : i32
        %dma_wait3A_170 = tpu.memref_slice %arg9[%dma_wait3A_168, %dma_wait3A_169] : memref<10240x128xf32, #tpu.memory_space<vmem_shared>> -> memref<10240x128xf32, #tpu.memory_space<vmem_shared>>
        tpu.wait_indirect_dma semaphore(%arg14 : memref<!tpu.dma_semaphore, #tpu.memory_space<semaphore_mem>>) src(%dma_wait3A_164 : memref<48x128xf32, #tpu.memory_space<vmem>>) dst(%dma_wait3A_170 : memref<10240x128xf32, #tpu.memory_space<vmem_shared>>)
      } else {
      }
      %add3A_155 = arith.constant 2 : i32
      %add3A_156 = arith.addi %add3A_127, %add3A_155 : i32
      %lt3A_157 = arith.constant 210 : i32
      %lt3A_158 = arith.cmpi slt, %add3A_156, %lt3A_157 : i32
      %convert_element_type3A_159 = arith.extui %lt3A_158 : i1 to i32
      %cond3A_160 = arith.constant 0 : i32
      %cond3A_161 = arith.cmpi ne, %convert_element_type3A_159, %cond3A_160 : i32
      scf.if %cond3A_161 {
        %add3A_162 = arith.constant 2 : i32
        %add3A_163 = arith.addi %add3A_127, %add3A_162 : i32
        %dma_start3A_164 = arith.constant 48 : i32
        %dma_start3A_165 = arith.constant 0 : i32
        %dma_start3A_166 = tpu.memref_slice %arg8[%dma_start3A_164, %dma_start3A_165] : memref<144x128xf32, #tpu.memory_space<vmem>> -> memref<48x128xf32, #tpu.memory_space<vmem>>
        %dma_start3A_167 = arith.constant 0 : i32
        %dma_start3A_168 = tpu.memref_slice %arg6[%add3A_163, %dma_start3A_167] : memref<210x48xi32, #tpu.memory_space<vmem>> -> memref<1x48xi32, #tpu.memory_space<vmem>>
        %dma_start3A_169 = tpu.memref_squeeze %dma_start3A_168 : memref<1x48xi32, #tpu.memory_space<vmem>> -> memref<48xi32, #tpu.memory_space<vmem>>
        %dma_start3A_170 = arith.constant 0 : i32
        %dma_start3A_171 = arith.constant 0 : i32
        %dma_start3A_172 = tpu.memref_slice %arg2[%dma_start3A_170, %dma_start3A_171] : memref<10240x128xf32, #tpu.memory_space<hbm>> -> memref<10240x128xf32, #tpu.memory_space<hbm>>
        tpu.enqueue_indirect_dma source(%dma_start3A_172 : memref<10240x128xf32, #tpu.memory_space<hbm>>) target(%dma_start3A_166 : memref<48x128xf32, #tpu.memory_space<vmem>>) offsets(%dma_start3A_169 : memref<48xi32, #tpu.memory_space<vmem>>) semaphore(%arg11 : memref<!tpu.dma_semaphore, #tpu.memory_space<semaphore_mem>>)
      } else {
      }
    }
    %scan3A_45 = arith.constant 70 : i32
    %dma_wait3A = arith.constant 209 : i32
    %dma_wait3A_46 = arith.constant 96 : i32
    %dma_wait3A_47 = arith.constant 0 : i32
    %dma_wait3A_48 = tpu.memref_slice %arg8[%dma_wait3A_46, %dma_wait3A_47] : memref<144x128xf32, #tpu.memory_space<vmem>> -> memref<48x128xf32, #tpu.memory_space<vmem>>
    %dma_wait3A_49 = arith.constant 0 : i32
    %dma_wait3A_50 = tpu.memref_slice %arg7[%dma_wait3A, %dma_wait3A_49] : memref<210x48xi32, #tpu.memory_space<vmem>> -> memref<1x48xi32, #tpu.memory_space<vmem>>
    %dma_wait3A_51 = tpu.memref_squeeze %dma_wait3A_50 : memref<1x48xi32, #tpu.memory_space<vmem>> -> memref<48xi32, #tpu.memory_space<vmem>>
    %dma_wait3A_52 = arith.constant 0 : i32
    %dma_wait3A_53 = arith.constant 0 : i32
    %dma_wait3A_54 = tpu.memref_slice %arg9[%dma_wait3A_52, %dma_wait3A_53] : memref<10240x128xf32, #tpu.memory_space<vmem_shared>> -> memref<10240x128xf32, #tpu.memory_space<vmem_shared>>
    tpu.wait_indirect_dma semaphore(%arg15 : memref<!tpu.dma_semaphore, #tpu.memory_space<semaphore_mem>>) src(%dma_wait3A_48 : memref<48x128xf32, #tpu.memory_space<vmem>>) dst(%dma_wait3A_54 : memref<10240x128xf32, #tpu.memory_space<vmem_shared>>)
    %barrier3A_55 = arith.constant 0 : index
    tpu.barrier barrier_id(%barrier3A_55)
    "tpu.region"() ({
      %run_scoped3A = tpu.sem_alloc : memref<!tpu.dma_semaphore, #tpu.memory_space<semaphore_mem>>
      %dma_start3A_56 = arith.constant 0 : i32
      %dma_start3A_57 = tpu.memref_slice %arg5[%arg0, %mul3A_2, %dma_start3A_56] : memref<2x10240x128xf32, #tpu.memory_space<hbm>> -> memref<1x640x128xf32, #tpu.memory_space<hbm>>
      %dma_start3A_58 = tpu.memref_squeeze %dma_start3A_57 : memref<1x640x128xf32, #tpu.memory_space<hbm>> -> memref<640x128xf32, #tpu.memory_space<hbm>>
      %dma_start3A_59 = arith.constant 0 : i32
      %dma_start3A_60 = tpu.memref_slice %arg9[%mul3A_2, %dma_start3A_59] : memref<10240x128xf32, #tpu.memory_space<vmem_shared>> -> memref<640x128xf32, #tpu.memory_space<vmem_shared>>
      tpu.enqueue_dma source(%dma_start3A_60 : memref<640x128xf32, #tpu.memory_space<vmem_shared>>) target(%dma_start3A_58 : memref<640x128xf32, #tpu.memory_space<hbm>>) target_semaphore(%run_scoped3A : memref<!tpu.dma_semaphore, #tpu.memory_space<semaphore_mem>>)
      %dma_wait3A_61 = arith.constant 0 : i32
      %dma_wait3A_62 = tpu.memref_slice %arg5[%arg0, %mul3A_2, %dma_wait3A_61] : memref<2x10240x128xf32, #tpu.memory_space<hbm>> -> memref<1x640x128xf32, #tpu.memory_space<hbm>>
      %dma_wait3A_63 = tpu.memref_squeeze %dma_wait3A_62 : memref<1x640x128xf32, #tpu.memory_space<hbm>> -> memref<640x128xf32, #tpu.memory_space<hbm>>
      %dma_wait3A_64 = arith.constant 0 : i32
      %dma_wait3A_65 = tpu.memref_slice %arg9[%mul3A_2, %dma_wait3A_64] : memref<10240x128xf32, #tpu.memory_space<vmem_shared>> -> memref<640x128xf32, #tpu.memory_space<vmem_shared>>
      tpu.wait_dma2 semaphore(%run_scoped3A : memref<!tpu.dma_semaphore, #tpu.memory_space<semaphore_mem>>) src(%dma_wait3A_65 : memref<640x128xf32, #tpu.memory_space<vmem_shared>>) dst(%dma_wait3A_63 : memref<640x128xf32, #tpu.memory_space<hbm>>)
      tpu.yield
    }) : () -> ()
    return
  }
}

module attributes {stable_mosaic.version = 14 : i64} {
  func.func @_mm_body(%arg0: i32, %arg1: memref<2x1280x128xf32, #tpu.memory_space<vmem>>, %arg2: memref<32x1280xf32, #tpu.memory_space<vmem>>, %arg3: memref<128x128xf32, #tpu.memory_space<vmem>>, %arg4: memref<1x128xf32, #tpu.memory_space<vmem>>, %arg5: memref<128x128xf32, #tpu.memory_space<vmem>>, %arg6: memref<1280x128xf32, #tpu.memory_space<vmem>>) attributes {dimension_semantics = [#tpu.dimension_semantics<arbitrary>], iteration_bounds = array<i64: 8>, scalar_prefetch = 0 : i64, scratch_operands = 0 : i64, tpu.core_type = #tpu.core_type<tc>, window_params = [{transform_indices = @transform_0, window_bounds = array<i64: 2, 1280, 128>}, {transform_indices = @transform_1, window_bounds = array<i64: 32, 1280>}, {pipeline_mode = #tpu.pipeline_mode<synchronous>, transform_indices = @transform_2, window_bounds = array<i64: 128, 128>}, {pipeline_mode = #tpu.pipeline_mode<synchronous>, transform_indices = @transform_3, window_bounds = array<i64: 1, 128>}, {pipeline_mode = #tpu.pipeline_mode<synchronous>, transform_indices = @transform_4, window_bounds = array<i64: 128, 128>}, {transform_indices = @transform_5, window_bounds = array<i64: 1280, 128>}]} {
    %get3A = arith.constant 0 : index
    %get3A_0 = arith.constant 0 : index
    %get3A_1 = vector.load %arg2[%get3A, %get3A_0] : memref<32x1280xf32, #tpu.memory_space<vmem>>, vector<32x1280xf32>
    %reduce_sum3A = arith.constant dense<0.000000e+00> : vector<1280xf32>
    %reduce_sum3A_2 = vector.multi_reduction <add>, %get3A_1, %reduce_sum3A [0] : vector<32x1280xf32> to vector<1280xf32>
    %max3A = arith.constant 1.000000e+00 : f32
    %max3A_3 = vector.broadcast %max3A : f32 to vector<1280xf32>
    %max3A_4 = arith.maximumf %reduce_sum3A_2, %max3A_3 : vector<1280xf32>
    %div3A = arith.constant 1.000000e+00 : f32
    %div3A_5 = vector.broadcast %div3A : f32 to vector<1280xf32>
    %div3A_6 = arith.divf %div3A_5, %max3A_4 : vector<1280xf32>
    %broadcast_in_dim3A = vector.shape_cast %div3A_6 : vector<1280xf32> to vector<1280x1xf32>
    %get3A_7 = arith.constant 0 : index
    %get3A_8 = arith.constant 0 : index
    %get3A_9 = arith.constant 0 : index
    %get3A_10 = vector.load %arg1[%get3A_7, %get3A_8, %get3A_9] : memref<2x1280x128xf32, #tpu.memory_space<vmem>>, vector<1x1280x128xf32>
    %get3A_11 = vector.shape_cast %get3A_10 : vector<1x1280x128xf32> to vector<1280x128xf32>
    %get3A_12 = arith.constant 1 : index
    %get3A_13 = arith.constant 0 : index
    %get3A_14 = arith.constant 0 : index
    %get3A_15 = vector.load %arg1[%get3A_12, %get3A_13, %get3A_14] : memref<2x1280x128xf32, #tpu.memory_space<vmem>>, vector<1x1280x128xf32>
    %get3A_16 = vector.shape_cast %get3A_15 : vector<1x1280x128xf32> to vector<1280x128xf32>
    %add3A = arith.addf %get3A_11, %get3A_16 : vector<1280x128xf32>
    %mul3A = vector.broadcast %broadcast_in_dim3A : vector<1280x1xf32> to vector<1280x128xf32>
    %mul3A_17 = arith.mulf %add3A, %mul3A : vector<1280x128xf32>
    %get3A_18 = arith.constant 0 : index
    %get3A_19 = arith.constant 0 : index
    %get3A_20 = vector.load %arg3[%get3A_18, %get3A_19] : memref<128x128xf32, #tpu.memory_space<vmem>>, vector<128x128xf32>
    %dot_general3A = arith.constant dense<0.000000e+00> : vector<1280x128xf32>
    %dot_general3A_21 = tpu.matmul %mul3A_17, %get3A_20, %dot_general3A {dimension_numbers = #tpu.dot_dimension_numbers<[1], [0], [0], [1], [0, 0, 1, 1], [], []>, transpose_lhs_hint = false} : vector<1280x128xf32>, vector<128x128xf32>, vector<1280x128xf32> -> vector<1280x128xf32>
    %get3A_22 = arith.constant 0 : index
    %get3A_23 = arith.constant 0 : index
    %get3A_24 = vector.load %arg4[%get3A_22, %get3A_23] : memref<1x128xf32, #tpu.memory_space<vmem>>, vector<1x128xf32>
    %add3A_25 = vector.broadcast %get3A_24 : vector<1x128xf32> to vector<1280x128xf32>
    %add3A_26 = arith.addf %dot_general3A_21, %add3A_25 : vector<1280x128xf32>
    %max3A_27 = arith.constant 0.000000e+00 : f32
    %max3A_28 = vector.broadcast %max3A_27 : f32 to vector<1280x128xf32>
    %max3A_29 = arith.maximumf %add3A_26, %max3A_28 : vector<1280x128xf32>
    %get3A_30 = arith.constant 0 : index
    %get3A_31 = arith.constant 0 : index
    %get3A_32 = vector.load %arg5[%get3A_30, %get3A_31] : memref<128x128xf32, #tpu.memory_space<vmem>>, vector<128x128xf32>
    %dot_general3A_33 = arith.constant dense<0.000000e+00> : vector<1280x128xf32>
    %dot_general3A_34 = tpu.matmul %max3A_29, %get3A_32, %dot_general3A_33 {dimension_numbers = #tpu.dot_dimension_numbers<[1], [0], [0], [1], [0, 0, 1, 1], [], []>, transpose_lhs_hint = false} : vector<1280x128xf32>, vector<128x128xf32>, vector<1280x128xf32> -> vector<1280x128xf32>
    %swap3A = arith.constant 0 : index
    %swap3A_35 = arith.constant 0 : index
    %swap3A_36 = vector.load %arg6[%swap3A, %swap3A_35] : memref<1280x128xf32, #tpu.memory_space<vmem>>, vector<1280x128xf32>
    tpu.vector_store %arg6[%swap3A, %swap3A_35], %dot_general3A_34 {strides = array<i32>} : memref<1280x128xf32, #tpu.memory_space<vmem>>, vector<1280x128xf32>,
    return
  }
  func.func @transform_0(%arg0: i32) -> (i32, i32, i32) {
    %c0_i32 = arith.constant 0 : i32
    %c0_i32_0 = arith.constant 0 : i32
    %c0_i32_1 = arith.constant 0 : i32
    return %c0_i32, %arg0, %c0_i32_0 : i32, i32, i32
  }
  func.func @transform_1(%arg0: i32) -> (i32, i32) {
    %c0_i32 = arith.constant 0 : i32
    %c0_i32_0 = arith.constant 0 : i32
    return %c0_i32, %arg0 : i32, i32
  }
  func.func @transform_2(%arg0: i32) -> (i32, i32) {
    %c0_i32 = arith.constant 0 : i32
    %c0_i32_0 = arith.constant 0 : i32
    %c0_i32_1 = arith.constant 0 : i32
    return %c0_i32, %c0_i32_0 : i32, i32
  }
  func.func @transform_3(%arg0: i32) -> (i32, i32) {
    %c0_i32 = arith.constant 0 : i32
    %c0_i32_0 = arith.constant 0 : i32
    %c0_i32_1 = arith.constant 0 : i32
    return %c0_i32, %c0_i32_0 : i32, i32
  }
  func.func @transform_4(%arg0: i32) -> (i32, i32) {
    %c0_i32 = arith.constant 0 : i32
    %c0_i32_0 = arith.constant 0 : i32
    %c0_i32_1 = arith.constant 0 : i32
    return %c0_i32, %c0_i32_0 : i32, i32
  }
  func.func @transform_5(%arg0: i32) -> (i32, i32) {
    %c0_i32 = arith.constant 0 : i32
    %c0_i32_0 = arith.constant 0 : i32
    return %arg0, %c0_i32 : i32, i32
  }
}

module attributes {stable_mosaic.version = 14 : i64} {
  func.func @_fin_body(%arg0: i32, %arg1: memref<2x1280x128xf32, #tpu.memory_space<vmem>>, %arg2: memref<32x1280xf32, #tpu.memory_space<vmem>>, %arg3: memref<1x128xf32, #tpu.memory_space<vmem>>, %arg4: memref<1280x128xf32, #tpu.memory_space<vmem>>) attributes {dimension_semantics = [#tpu.dimension_semantics<arbitrary>], iteration_bounds = array<i64: 8>, scalar_prefetch = 0 : i64, scratch_operands = 0 : i64, tpu.core_type = #tpu.core_type<tc>, window_params = [{transform_indices = @transform_0, window_bounds = array<i64: 2, 1280, 128>}, {transform_indices = @transform_1, window_bounds = array<i64: 32, 1280>}, {pipeline_mode = #tpu.pipeline_mode<synchronous>, transform_indices = @transform_2, window_bounds = array<i64: 1, 128>}, {transform_indices = @transform_3, window_bounds = array<i64: 1280, 128>}]} {
    %get3A = arith.constant 0 : index
    %get3A_0 = arith.constant 0 : index
    %get3A_1 = vector.load %arg2[%get3A, %get3A_0] : memref<32x1280xf32, #tpu.memory_space<vmem>>, vector<32x1280xf32>
    %reduce_sum3A = arith.constant dense<0.000000e+00> : vector<1280xf32>
    %reduce_sum3A_2 = vector.multi_reduction <add>, %get3A_1, %reduce_sum3A [0] : vector<32x1280xf32> to vector<1280xf32>
    %max3A = arith.constant 1.000000e+00 : f32
    %max3A_3 = vector.broadcast %max3A : f32 to vector<1280xf32>
    %max3A_4 = arith.maximumf %reduce_sum3A_2, %max3A_3 : vector<1280xf32>
    %div3A = arith.constant 1.000000e+00 : f32
    %div3A_5 = vector.broadcast %div3A : f32 to vector<1280xf32>
    %div3A_6 = arith.divf %div3A_5, %max3A_4 : vector<1280xf32>
    %broadcast_in_dim3A = vector.shape_cast %div3A_6 : vector<1280xf32> to vector<1280x1xf32>
    %get3A_7 = arith.constant 0 : index
    %get3A_8 = arith.constant 0 : index
    %get3A_9 = arith.constant 0 : index
    %get3A_10 = vector.load %arg1[%get3A_7, %get3A_8, %get3A_9] : memref<2x1280x128xf32, #tpu.memory_space<vmem>>, vector<1x1280x128xf32>
    %get3A_11 = vector.shape_cast %get3A_10 : vector<1x1280x128xf32> to vector<1280x128xf32>
    %get3A_12 = arith.constant 1 : index
    %get3A_13 = arith.constant 0 : index
    %get3A_14 = arith.constant 0 : index
    %get3A_15 = vector.load %arg1[%get3A_12, %get3A_13, %get3A_14] : memref<2x1280x128xf32, #tpu.memory_space<vmem>>, vector<1x1280x128xf32>
    %get3A_16 = vector.shape_cast %get3A_15 : vector<1x1280x128xf32> to vector<1280x128xf32>
    %add3A = arith.addf %get3A_11, %get3A_16 : vector<1280x128xf32>
    %mul3A = vector.broadcast %broadcast_in_dim3A : vector<1280x1xf32> to vector<1280x128xf32>
    %mul3A_17 = arith.mulf %add3A, %mul3A : vector<1280x128xf32>
    %get3A_18 = arith.constant 0 : index
    %get3A_19 = arith.constant 0 : index
    %get3A_20 = vector.load %arg3[%get3A_18, %get3A_19] : memref<1x128xf32, #tpu.memory_space<vmem>>, vector<1x128xf32>
    %add3A_21 = vector.broadcast %get3A_20 : vector<1x128xf32> to vector<1280x128xf32>
    %add3A_22 = arith.addf %mul3A_17, %add3A_21 : vector<1280x128xf32>
    %swap3A = arith.constant 0 : index
    %swap3A_23 = arith.constant 0 : index
    %swap3A_24 = vector.load %arg4[%swap3A, %swap3A_23] : memref<1280x128xf32, #tpu.memory_space<vmem>>, vector<1280x128xf32>
    tpu.vector_store %arg4[%swap3A, %swap3A_23], %add3A_22 {strides = array<i32>} : memref<1280x128xf32, #tpu.memory_space<vmem>>, vector<1280x128xf32>,
    return
  }
  func.func @transform_0(%arg0: i32) -> (i32, i32, i32) {
    %c0_i32 = arith.constant 0 : i32
    %c0_i32_0 = arith.constant 0 : i32
    %c0_i32_1 = arith.constant 0 : i32
    return %c0_i32, %arg0, %c0_i32_0 : i32, i32, i32
  }
  func.func @transform_1(%arg0: i32) -> (i32, i32) {
    %c0_i32 = arith.constant 0 : i32
    %c0_i32_0 = arith.constant 0 : i32
    return %c0_i32, %arg0 : i32, i32
  }
  func.func @transform_2(%arg0: i32) -> (i32, i32) {
    %c0_i32 = arith.constant 0 : i32
    %c0_i32_0 = arith.constant 0 : i32
    %c0_i32_1 = arith.constant 0 : i32
    return %c0_i32, %c0_i32_0 : i32, i32
  }
  func.func @transform_3(%arg0: i32) -> (i32, i32) {
    %c0_i32 = arith.constant 0 : i32
    %c0_i32_0 = arith.constant 0 : i32
    return %arg0, %c0_i32 : i32, i32
  }
}

</mosaic_0001>

<sc_bundles>
// kernel: kernel.6.cloned.1.call-start
scs
__scs_entry_jumppad:
0x0: {  	(pc) =	sbr.rel $0x88, $3  }
0x1: {  	(tag) =	ssettag $0x0;
	lr =	simm.s32 $0x1  }
0x2: {  	[smem:$0x3F9B] =	sst lr;
	_ =	strace $0xD0000000  }
0x3: {  	_ = 	snop  }
0x4: {  	_ = 	snop  }
0x5: {  	_ = 	snop  }
0x6: {  	_ = 	snop  }
0x7: {  	_ = 	snop  }
__scs_overlays_trampoline_lowered:
0x8: {  	[smem:$0x3FAA] =	sst s0  }
0x9: {  	[smem:$0x3FAB] =	sst s1  }
0xa: {  	[smem:$0x3FAC] =	sst s2  }
0xb: {  	[smem:$0x3FAD] =	sst s3  }
0xc: {  	[smem:$0x3FAE] =	sst s4  }
0xd: {  	[smem:$0x3FAF] =	sst s5  }
0xe: {  	[smem:$0x3FB0] =	sst s6  }
0xf: {  	[smem:$0x3FB1] =	sst s7  }
0x10: {  	[smem:$0x3FB2] =	sst s8  }
0x11: {  	[smem:$0x3FB3] =	sst s9;
	s0 =	simm.s32 @!p0 $0x0  }
0x12: {  	s1 =	sld [smem:$0x3F99];
	s0 =	simm.s32 @p0 $0x1  }
0x13: {  	[smem:$0x3FB4] =	sst s0;
	s0 =	simm.s32 @!p1 $0x0  }
0x14: {  	s2 =	sld [smem:$0x3F98];
	s0 =	simm.s32 @p1 $0x1  }
0x15: {  	[smem:$0x3FB5] =	sst s0;
	s0 =	simm.s32 @!p2 $0x0  }
0x16: {  	s3 =	sld [smem:$0x3FDB];
	s0 =	simm.s32 @p2 $0x1  }
0x17: {  	s4 =	simm.s32 $0x1BF5;
	[smem:$0x3FB7] =	sst s0  }
0x18: {  	s0 =	sld [smem:$0x3F9A];
	_ =	swait.ge [sflag:s4], $0x0  }
0x19: {  	s7 =	sld [smem:$0x3F9B]  }
0x1a: {  	s8 =	sadd.s32 $0xFFFFE003, lr  }
0x1b: {  	s9 =	sadd.s32 $0xFFFFFEF7, lr;
	s5 =	simm.s32 $0xFFFFFFFF;
	p2 =	slt.u32 s8, $0xFFFFF086  }
0x1c: {  	p1 =	slt.u32 s9, $0xF7A;
	s5 =	simm.s32 @!p2 $0x0  }
0x1d: {  	s5 =	simm.s32 @p1 $0x1;
	p0 =	seq.s32 s7, s2  }
0x1e: {  	s7 =	smul.u32 @!p0 $0xF7A, s2;
	p2 =	seq.s32 @!p0 s5, $0x0  }
0x1f: {  	s9 =	smul.u32 $0xF7A, s1;
	s8 =	simm.s32 @!p0 $0x1BF5;
	p2 =	por !p2, p0  }
0x20: {  	[sflag:s8] =	ssyncset.s32 @!p0 $0xFFFFF086;
	s6 =	sadd.s32 @!p0 s3, s7;
	s7 =	simm.s32 @!p0 $0x108  }
0x21: {  	s3 =	sadd.s32 s3, s9;
	s6 =	sadd.s32 @!p0 $0x88, s6;
	s7 =	simm.s32 @p2 $0x1082  }
0x22: {  	[simem:s7], [sflag:s8] =	dma.local @!p0 [hbm:s6], $0xF7A  }
0x23: {  	s9 =	sor.u32 $0xD0000000, s2;
	s6 =	simm.s32 $0x108;
	_ =	swait.ge @!p0 [sflag:s8], $0x0  }
0x24: {  	s3 =	sadd.s32 $0x88, s3;
	s6 =	simm.s32 @!p1 $0x1082;
	[sflag:s4] =	ssyncset.s32 $0xFFFFF086  }
0x25: {  	[simem:s6], [sflag:s4] =	dma.local [hbm:s3], $0xF7A  }
0x26: {  	[smem:$0x3F9B] =	sst s1;
	(tag) =	ssettag s2;
	_ =	strace s9  }
0x27: {  	s1 =	sld [smem:$0x3FAB]  }
0x28: {  	s2 =	sld [smem:$0x3FAC]  }
0x29: {  	s4 =	sld [smem:$0x3FAE]  }
0x2a: {  	p0 =	seq.s32 s5, $0x0;
	s5 =	sld [smem:$0x3FAF]  }
0x2b: {  	s6 =	sld [smem:$0x3FB0]  }
0x2c: {  	s7 =	sld [smem:$0x3FB1]  }
0x2d: {  	s3 =	simm.s32 $0x108;
	s8 =	sld [smem:$0x3FB2]  }
0x2e: {  	s3 =	simm.s32 @!p0 $0x1082;
	s9 =	sld [smem:$0x3FB3]  }
0x2f: {  	lr =	sadd.s32 s0, s3;
	s0 =	sld [smem:$0x3FAA]  }
0x30: {  	s3 =	sld [smem:$0x3FAD]  }
0x31: {  	[smem:$0x3FB6] =	sst s10  }
0x32: {  	s10 =	sld [smem:$0x3FB4];
	_ =	sdelay $0x3  }
0x33: {  	p0 =	seq.s32 s10, $0x1;
	s10 =	sld [smem:$0x3FB6];
	_ =	sdelay $0x3  }
0x34: {  	[smem:$0x3FB6] =	sst s10  }
0x35: {  	s10 =	sld [smem:$0x3FB5];
	_ =	sdelay $0x3  }
0x36: {  	p1 =	seq.s32 s10, $0x1;
	s10 =	sld [smem:$0x3FB6];
	_ =	sdelay $0x3  }
0x37: {  	[smem:$0x3FB6] =	sst s10  }
0x38: {  	s10 =	sld [smem:$0x3FB7]  }
0x39: {  	_ = 	snop;
	(pc) =	sbr.ind lr, $3  }
0x3a: {  	_ = 	snop  }
0x3b: {  	_ = 	snop  }
0x3c: {  	p2 =	seq.s32 s10, $0x1;
	s10 =	sld [smem:$0x3FB6]  }
0x3d: {  	_ =	shalt  }
0x3e: {  	_ =	shalt  }
0x3f: {  	_ =	shalt  }
0x40: {  	_ =	shalt  }
0x41: {  	_ =	shalt  }
0x42: {  	_ =	shalt  }
0x43: {  	_ =	shalt  }
0x44: {  	_ =	shalt  }
0x45: {  	_ =	shalt  }
0x46: {  	_ =	shalt  }
0x47: {  	_ =	shalt  }
0x48: {  	_ =	shalt  }
0x49: {  	_ =	shalt  }
0x4a: {  	_ =	shalt  }
0x4b: {  	_ =	shalt  }
0x4c: {  	_ =	shalt  }
0x4d: {  	_ =	shalt  }
0x4e: {  	_ =	shalt  }
0x4f: {  	_ =	shalt  }
0x50: {  	_ =	shalt  }
0x51: {  	_ =	shalt  }
0x52: {  	_ =	shalt  }
0x53: {  	_ =	shalt  }
0x54: {  	_ =	shalt  }
0x55: {  	_ =	shalt  }
0x56: {  	_ =	shalt  }
0x57: {  	_ =	shalt  }
0x58: {  	_ =	shalt  }
0x59: {  	_ =	shalt  }
0x5a: {  	_ =	shalt  }
0x5b: {  	_ =	shalt  }
0x5c: {  	_ =	shalt  }
0x5d: {  	_ =	shalt  }
0x5e: {  	_ =	shalt  }
0x5f: {  	_ =	shalt  }
0x60: {  	_ =	shalt  }
0x61: {  	_ =	shalt  }
0x62: {  	_ =	shalt  }
0x63: {  	_ =	shalt  }
0x64: {  	_ =	shalt  }
0x65: {  	_ =	shalt  }
0x66: {  	_ =	shalt  }
0x67: {  	_ =	shalt  }
0x68: {  	_ =	shalt  }
0x69: {  	_ =	shalt  }
0x6a: {  	_ =	shalt  }
0x6b: {  	_ =	shalt  }
0x6c: {  	_ =	shalt  }
0x6d: {  	_ =	shalt  }
0x6e: {  	_ =	shalt  }
0x6f: {  	_ =	shalt  }
0x70: {  	_ =	shalt  }
0x71: {  	_ =	shalt  }
0x72: {  	_ =	shalt  }
0x73: {  	_ =	shalt  }
0x74: {  	_ =	shalt  }
0x75: {  	_ =	shalt  }
0x76: {  	_ =	shalt  }
0x77: {  	_ =	shalt  }
0x78: {  	_ =	shalt  }
0x79: {  	_ =	shalt  }
0x7a: {  	_ =	shalt  }
0x7b: {  	_ =	shalt  }
0x7c: {  	_ =	shalt  }
0x7d: {  	_ =	shalt  }
0x7e: {  	_ =	shalt  }
0x7f: {  	_ =	shalt  }
0x80: {  	_ =	shalt  }
0x81: {  	_ =	shalt  }
0x82: {  	_ =	shalt  }
0x83: {  	_ =	shalt  }
0x84: {  	_ =	shalt  }
0x85: {  	_ =	shalt  }
0x86: {  	_ =	shalt  }
0x87: {  	_ =	shalt  }
.Lfunc_end0:
.L_simem_size_0:
called_computation_lowered:
.L_overlay_start_0:
0x88: {  	s2 =	sld [smem:$0x3FD9]  }
0x89: {  	s3 =	sld [smem:$0x3FFE];
	_ =	sdelay $0x1  }
0x8a: {  	s1 =	srdreg.scid  }
0x8b: {  	s0 =	sand.u32 $0x1, s1  }
0x8c: {  	s17 =	sshll.u32 s0, $0xA;
	s2 =	sadd.s32 s3, s2  }
0x8d: {  	s2 =	sadd.s32 s2, s17  }
0x8e: {  	[smem:$0x3FC2] =	sst s2  }
0x8f: {  	_ = 	snop  }
0x90: {  	s2 =	sld [smem:$0x3FC9]  }
0x91: {  	s18 =	sld [smem:$0x3FD0];
	(tm) =	ssettm $0x1  }
0x92: {  	s4 =	sld [smem:$0x3FFB];
	_ =	sdelay $0x3  }
0x93: {  	_ =	strace s4  }
0x94: {  	s4 =	sld [smem:$0x3FFC];
	_ =	sdelay $0x3  }
0x95: {  	_ =	strace s4  }
0x96: {  	s4 =	sld [smem:$0x3FFD];
	_ =	sdelay $0x3  }
0x97: {  	_ =	strace s4  }
0x98: {  	_ =	strace $0x8FFFFFFF  }
0x99: {  	s19 =	sld [smem:$0x3FDB];
	_ =	sdelay $0x1  }
0x9a: {  	s5 =	simm.s32 $_scs_section_size  }
0x9b: {  	s6 =	simm.s32 $_size__tile_overlayer_lowered;
	s7 =	simm.s32 $_tile_overlayer_lowered  }
0x9c: {  	s22 =	simm.s32 $0x1BFF;
	s21 =	sshll.u32 s7, $0x1;
	s4 =	sadd.s32 s5, s19  }
0x9d: {  	s8 =	simm.s32 $0x0;
	s20 =	sshll.u32 s6, $0x1;
	s6 =	sadd.s32 s21, s4  }
0x9e: {  	[timem:s8], [sflag:s22] =	dma.local [hbm:s6], s20  }
0x9f: {  	_ =	swait.ge [sflag:s22], s20  }
0xa0: {  	s5 =	ssub.s32 $0x0, s20;
	[sflag:s22] =	ssyncset.done $0x0  }
0xa1: {  	[sflag:s22] =	ssyncadd.s32 s5;
	_ =	sdelay $0x1  }
0xa2: {  	s23 =	simm.s32 $0x1B8B  }
0xa3: {  	_ =	swait.ge [sflag:s23], $0x1  }
0xa4: {  	[sflag:s23] =	ssyncset.done $0x0  }
0xa5: {  	s25 =	simm.s32 $0x1B8E;
	s24 =	sld [smem:$0x3FFE];
	[sflag:s23] =	ssyncadd.s32 $0xFFFFFFFF  }
0xa6: {  	s26 =	simm.s32 $execute0_lowered;
	[smem:$0x3FD2] =	sst s25  }
0xa7: {  	s6 =	sshll.u32 s26, $0x1;
	_ =	strace $0x80000046;
	[dreg:$0x1] =	wrdreg $0xFFFFFFFF  }
0xa8: {  	s28 =	simm.s32 $_size_execute0_lowered;
	s4 =	sadd.s32 s4, s6;
	[dreg:$0x0] =	wrdreg $0x0  }
0xa9: {  	s6 =	sshll.u32 s28, $0x1;
	[dreg:$0x2] =	wrdreg s4  }
0xaa: {  	[dreg:$0x3] =	wrdreg s6  }
0xab: {  	[dreg:$0x4] =	wrdreg $0xC0  }
0xac: {  	_ =	task [dreg:s8], $0x5FFFF  }
0xad: {  	[dreg:$0x1] =	wrdreg $0xFFFFFFFF  }
0xae: {  	[dreg:$0x0] =	wrdreg $0x60  }
0xaf: {  	[dreg:$0x2] =	wrdreg s2  }
0xb0: {  	[dreg:$0x3] =	wrdreg s24  }
0xb1: {  	[dreg:$0x4] =	wrdreg s18  }
0xb2: {  	[dreg:$0x5] =	wrdreg $0x96C00  }
0xb3: {  	[dreg:$0x6] =	wrdreg $0x9  }
0xb4: {  	_ =	task.clear_ibuf [dreg:s8], $0x7FFFF;
	_ =	strace $0x90000046  }
0xb5: {  	s29 =	simm.s32 $0x9;
	_ =	strace $0x80000048  }
0xb6: {  	_ =	swait.ge [sflag:s29], $0x1  }
0xb7: {  	[sflag:s29] =	ssyncadd.s32 $0xFFFFFFFF  }
0xb8: {  	_ =	strace $0x90000048  }
0xb9: {  	_ =	sfence  }
0xba: {  	s30 =	sld [smem:$0x0];
	_ =	sdelay $0x2  }
0xbb: {  	s31 =	sshll.u32 s1, $0xD;
	s1 =	sshrl.u32 s1, $0x2  }
0xbc: {  	s3 =	sand.u32 $0x4000, s31;
	s1 =	sadd.s32 s1, s30  }
0xbd: {  	s0 =	sor.u32 s3, s0;
	s1 =	sshll.u32 s1, $0x11  }
0xbe: {  	s0 =	sor.u32 s1, s0  }
0xbf: {  	s0 =	sadd.s32 $0x8F2B, s0  }
0xc0: {  	[sflag:s0] =	ssyncadd.remote.s32 $0x1  }
0xc1: {  	_ =	sfence.sel $0xFFFF  }
0xc2: {  	[dreg:$0x0] =	wrdreg $0xFFFFFFFF;
	(pc) =	sbr.abs _section_cstart, $3  }
0xc3: {  	[dreg:$0x1] =	wrdreg $0xFFFFFFFF  }
0xc4: {  	_ =	task.clear_ibuf [dreg:s8], $0x2FFFF;
	_ =	strace $0x9FFFFFFF  }
0xc5: {  	(tm) =	ssettm $0x7FFFFFFF  }
tec
execute0_lowered:
.L_overlay_start_1:
0x0: {  	(tag) =	ssettag $0x1  }
0x1: {  	s1 =	rddreg [dreg:$0x0]  }
0x2: {  	s0 =	rddreg [dreg:$0x1]  }
0x3: {  	s2 =	rddreg [dreg:$0x2]  }
0x4: {  	s3 =	rddreg [dreg:$0x3]  }
0x5: {  	s4 =	srdreg.scid;
	s9 =	stileid.u32;
	s15 =	simm.s32 $0x7  }
0x6: {  	s16 =	simm.s32 $0x2760;
	s17 =	simm.s32 $0x4EC0;
	s18 =	simm.s32 $0x30  }
0x7: {  	s19 =	simm.s32 $0x66C0;
	s20 =	simm.s32 $0x1;
	s21 =	simm.s32 $0x1D6C0  }
0x8: {  	s23 =	simm.s32 $0x7EC0;
	s24 =	simm.s32 $0x2;
	s29 =	simm.s32 $0x3  }
0x9: {  	s31 =	simm.s32 $0x5;
	s22 =	simm.s32 $0x0;
	s5 =	sand.u32 $0x1, s4  }
0xa: {  	s7 =	smul.u32 $0x14000, s9;
	s4 =	simm.s32 $0x0;
	s6 =	sshll.u32 s5, $0x4  }
0xb: {  	s8 =	smul.u32 $0x140000, s5;
	[smem:$0x7FF] =	sst s4;
	s5 =	ssub.s32 $0x2, s5  }
0xc: {  	s10 =	sor.u32 s9, s6;
	_ =	strace $0x80000047;
	s9 =	smul.u32 $0x50000, s9  }
0xd: {  	s26 =	sshrl.u32 s5, $0x1;
	s6 =	smul.u32 $0x4EC, s10;
	s8 =	sadd.s32 s7, s8  }
0xe: {  	s14 =	ssub.s32 s5, s26;
	s7 =	sadd.s32 s7, s3;
	s13 =	smul.u32 $0x500, s10  }
0xf: {  	s26 =	simm.s32 $0x4;
	s8 =	sshrl.u32 s8, $0x3;
	s30 =	sshrl.u32 s9, $0x2  }
.Ltmp0:
0x10: {  	s14 =	smax.u32 s14, $0x1;
	s6 =	sadd.s32 s6, s0;
	(pc) =	sbr.rel .LBB2_1-.Ltmp0, $4  }
0x11: {  	s0 =	sadd.s32 s8, s0;
	s11 =	sadd.s32 s30, s3;
	s13 =	sadd.s32 s2, s13  }
0x12: {  	s2 =	simm.s32 $0x6;
	s28 =	sadd.s32 $0x1400, s6;
	s6 =	sadd.s32 $0xB200, s6  }
0x13: {  	s8 =	sadd.s32 $0x4000, s11;
	s9 =	sadd.s32 $0x8000, s11;
	s10 =	sadd.s32 $0xC000, s11  }
0x14: {  	v0 =	vimm.f32 $0.0e+00;
	v1 =	vimm.f32 $1.000000000e+00;
	s11 =	sadd.s32 $0x10000, s11;
	s12 =	sadd.s32 $0x15000, s0;
	[dreg:$0x5] =	wrdreg s28  }
.LBB2_8:
0x15: {  	_ =	swait.ge [sflag:s2], $0x1800  }
0x16: {  	s0 =	stileid.u32;
	[sflag:s2] =	ssyncset.done $0x0  }
0x17: {  	s0 =	sshll.u32 s0, $0x6;
	[sflag:s2] =	ssyncadd.s32 $0xFFFFE800  }
0x18: {  	s5 =	sshrl.u32 s7, $0x3;
	s0 =	sor.u32 $0x1C07, s0;
	[bflag:$0x0] =	sbarrier.arrive $0xFFFF  }
0x19: {  	[hbm:s12], [sflag:s0] =	dma.local [spmem:s5], $0x2800  }
0x1a: {  	s22 =	sadd.s32 $0x1, s22;
	_ =	swait.ge [sflag:s15], $0x2800  }
0x1b: {  	p0 =	sne.s32 s22, s14;
	[sflag:s15] =	ssyncset.done $0x0  }
.Ltmp1:
0x1c: {  	[sflag:s15] =	ssyncadd.s32 $0xFFFFD800;
	(pc) =	sbr.rel @!p0 .LBB2_9-.Ltmp1, $4  }
0x1d: {  	[hbm4b:s13+s4] =	stream.linear.scatter [tilespmem:s21], [sflag:$0x7], $0x2800, $0x38;
	[tilespmem:$0x1FEC0] =	vst v63  }
0x1e: {  	_ =	swait.ge [sflag:s15], $0x2800  }
0x1f: {  	[sflag:s15] =	ssyncset.done $0x0  }
0x20: {  	[sflag:s15] =	ssyncadd.s32 $0xFFFFD800  }
.LBB2_1:
0x21: {  	s0 =	rddreg [dreg:$0x5]  }
0x22: {  	[tilespmem:s4], [sflag:$0x7] =	stream.linear.gather [hbm4b:s0+s4], $0x2760, $0x38;
	[tilespmem:$0x1FEC0] =	vst v63  }
0x23: {  	_ =	swait.ge [sflag:s15], $0x2760  }
0x24: {  	[sflag:s15] =	ssyncset.done $0x0  }
0x25: {  	[sflag:s15] =	ssyncadd.s32 $0xFFFFD8A0  }
0x26: {  	[tilespmem:s16], [sflag:$0x7] =	stream.linear.gather [hbm4b:s6+s4], $0x2760, $0x38;
	[tilespmem:$0x1FEC0] =	vst v63  }
0x27: {  	_ =	swait.ge [sflag:s15], $0x2760  }
0x28: {  	[sflag:s15] =	ssyncset.done $0x0  }
0x29: {  	s25 =	simm.s32 $0x0;
	s28 =	simm.s32 $0x200;
	[sflag:s15] =	ssyncadd.s32 $0xFFFFD8A0  }
.LBB2_2:
0x2a: {  	p0 =	sne.s32 s28, $0x11E00;
	[tilespmem:s25+$0x4F30] =	vst v0  }
0x2b: {  	[tilespmem:s25+$0x4EC0] =	vst v0  }
0x2c: {  	[tilespmem:s25+$0x4ED0] =	vst v0  }
.Ltmp2:
0x2d: {  	[tilespmem:s25+$0x4EE0] =	vst v0;
	(pc) =	sbr.rel @p0 .LBB2_2-.Ltmp2, $4  }
0x2e: {  	[tilespmem:s25+$0x4EF0] =	vst v0  }
0x2f: {  	[tilespmem:s25+$0x4F00] =	vst v0  }
0x30: {  	[tilespmem:s25+$0x4F10] =	vst v0  }
0x31: {  	[tilespmem:s25+$0x4F20] =	vst v0;
	s25 =	sshra.s32 s28, $0x2;
	s28 =	sadd.s32 $0x200, s28  }
0x32: {  	[tilespmem:s25+$0x4F30] =	vst v0  }
0x33: {  	[tilespmem:s25+$0x4EC0] =	vst v0  }
0x34: {  	[tilespmem:s25+$0x4ED0] =	vst v0  }
0x35: {  	[tilespmem:s25+$0x4EE0] =	vst v0  }
0x36: {  	[tilespmem:s25+$0x4EF0] =	vst v0  }
0x37: {  	[tilespmem:s25+$0x4F00] =	vst v0  }
0x38: {  	[tilespmem:s25+$0x4F10] =	vst v0  }
0x39: {  	[tilespmem:s25+$0x4F20] =	vst v0  }
0x3a: {  	[spmem:s7] =	stream.linear.scatter [tilespmem:s17], [sflag:$0x7], $0x4000, $0x38;
	[tilespmem:$0x1FEC0] =	vst v63  }
0x3b: {  	_ =	swait.ge [sflag:s15], $0x4000  }
0x3c: {  	[sflag:s15] =	ssyncset.done $0x0  }
0x3d: {  	[sflag:s15] =	ssyncadd.s32 $0xFFFFC000  }
0x3e: {  	[spmem:s8] =	stream.linear.scatter [tilespmem:s17], [sflag:$0x7], $0x4000, $0x38;
	[tilespmem:$0x1FEC0] =	vst v63  }
0x3f: {  	_ =	swait.ge [sflag:s15], $0x4000  }
0x40: {  	[sflag:s15] =	ssyncset.done $0x0  }
0x41: {  	[sflag:s15] =	ssyncadd.s32 $0xFFFFC000  }
0x42: {  	[spmem:s9] =	stream.linear.scatter [tilespmem:s17], [sflag:$0x7], $0x4000, $0x38;
	[tilespmem:$0x1FEC0] =	vst v63  }
0x43: {  	_ =	swait.ge [sflag:s15], $0x4000  }
0x44: {  	[sflag:s15] =	ssyncset.done $0x0  }
0x45: {  	[sflag:s15] =	ssyncadd.s32 $0xFFFFC000  }
0x46: {  	[spmem:s10] =	stream.linear.scatter [tilespmem:s17], [sflag:$0x7], $0x4000, $0x38;
	[tilespmem:$0x1FEC0] =	vst v63  }
0x47: {  	_ =	swait.ge [sflag:s15], $0x4000  }
0x48: {  	[sflag:s15] =	ssyncset.done $0x0  }
0x49: {  	[sflag:s15] =	ssyncadd.s32 $0xFFFFC000  }
0x4a: {  	[spmem:s11] =	stream.linear.scatter [tilespmem:s17], [sflag:$0x7], $0x4000, $0x38;
	[tilespmem:$0x1FEC0] =	vst v63  }
0x4b: {  	_ =	swait.ge [sflag:s15], $0x4000  }
0x4c: {  	[sflag:s15] =	ssyncset.done $0x0  }
0x4d: {  	s25 =	simm.s32 $0x40;
	s28 =	simm.s32 $0x0;
	[sflag:s15] =	ssyncadd.s32 $0xFFFFC000  }
.LBB2_4:
0x4e: {  	p0 =	sne.s32 s25, $0x9FC0;
	[tilespmem:s28+$0x1D6C0] =	vst v0;
	s28 =	smov.u32 s25;
	s25 =	sadd.s32 $0x40, s25  }
.Ltmp3:
0x4f: {  	(pc) =	sbr.rel @p0 .LBB2_4-.Ltmp3, $2  }
0x50: {  	_ =	sdelay $0x2  }
0x51: {  	s28 =	sshra.s32 s28, $0x2  }
0x52: {  	[tilespmem:s28+$0x1D6C0] =	vst v0  }
0x53: {  	s25 =	simm.s32 $0x0;
	[bflag:$0x0] =	sbarrier.arrive $0xFFFF  }
0x54: {  	[tilespmem:s17], [sflag:$0x1] =	stream.indirect.gather [hbm4b:s1+s18], $0x80, s25, s18, $0xb8;
	[tilespmem:$0x1FEC0] =	vst v63  }
0x55: {  	_ = 	snop  }
0x56: {  	[tilespmem:s19], [sflag:$0x2] =	stream.indirect.gather [hbm4b:s1+s18], $0x80, s18, s18, $0xb8;
	[tilespmem:$0x1FEC0] =	vst v63  }
0x57: {  	_ =	swait.ge [sflag:s20], $0x1800  }
0x58: {  	[sflag:s20] =	ssyncset.done $0x0  }
0x59: {  	[sflag:s20] =	ssyncadd.s32 $0xFFFFE800  }
0x5a: {  	[spmem:s3] =	stream.indirect.scatter.add.f32 [tilespmem:s17], [sflag:$0x4], $0x80, s16, s18, $0xb8;
	[tilespmem:$0x1FEC0] =	vst v63  }
0x5b: {  	v2 =	vld [tilespmem:$0x2760];
	_ =	sdelay $0x7  }
0x5c: {  	[tilespmem:v2+s21+$0x0] =	vst.idx.add.f32.msk $0xffff, v1  }
0x5d: {  	v2 =	vld [tilespmem:$0x2770];
	_ =	sdelay $0x7  }
0x5e: {  	[tilespmem:v2+s21+$0x0] =	vst.idx.add.f32.msk $0xffff, v1  }
0x5f: {  	v2 =	vld [tilespmem:$0x2780];
	_ =	sdelay $0x7  }
0x60: {  	s0 =	simm.s32 $0x60;
	[tilespmem:v2+s21+$0x0] =	vst.idx.add.f32.msk $0xffff, v1  }
0x61: {  	[tilespmem:s23], [sflag:$0x3] =	stream.indirect.gather [hbm4b:s1+s18], $0x80, s0, s18, $0xb8;
	[tilespmem:$0x1FEC0] =	vst v63  }
0x62: {  	_ =	swait.ge [sflag:s24], $0x1800  }
0x63: {  	[sflag:s24] =	ssyncset.done $0x0  }
0x64: {  	s30 =	simm.s32 $0x2790;
	[sflag:s24] =	ssyncadd.s32 $0xFFFFE800  }
0x65: {  	[spmem:s3] =	stream.indirect.scatter.add.f32 [tilespmem:s19], [sflag:$0x5], $0x80, s30, s18, $0xb8;
	[tilespmem:$0x1FEC0] =	vst v63  }
0x66: {  	v2 =	vld [tilespmem:$0x2790];
	_ =	sdelay $0x7  }
0x67: {  	[tilespmem:v2+s21+$0x0] =	vst.idx.add.f32.msk $0xffff, v1  }
0x68: {  	v2 =	vld [tilespmem:$0x27A0];
	_ =	sdelay $0x7  }
0x69: {  	[tilespmem:v2+s21+$0x0] =	vst.idx.add.f32.msk $0xffff, v1  }
0x6a: {  	v2 =	vld [tilespmem:$0x27B0];
	_ =	sdelay $0x7  }
0x6b: {  	[tilespmem:v2+s21+$0x0] =	vst.idx.add.f32.msk $0xffff, v1  }
0x6c: {  	_ =	swait.ge [sflag:s26], $0x1800  }
0x6d: {  	[sflag:s26] =	ssyncset.done $0x0  }
0x6e: {  	s5 =	simm.s32 $0x90;
	[sflag:s26] =	ssyncadd.s32 $0xFFFFE800  }
0x6f: {  	[tilespmem:s17], [sflag:$0x1] =	stream.indirect.gather [hbm4b:s1+s18], $0x80, s5, s18, $0xb8;
	[tilespmem:$0x1FEC0] =	vst v63  }
0x70: {  	_ =	swait.ge [sflag:s29], $0x1800  }
0x71: {  	[sflag:s29] =	ssyncset.done $0x0  }
0x72: {  	s28 =	simm.s32 $0x27C0;
	[sflag:s29] =	ssyncadd.s32 $0xFFFFE800  }
0x73: {  	[spmem:s3] =	stream.indirect.scatter.add.f32 [tilespmem:s23], [sflag:$0x6], $0x80, s28, s18, $0xb8;
	[tilespmem:$0x1FEC0] =	vst v63  }
0x74: {  	v2 =	vld [tilespmem:$0x27C0];
	_ =	sdelay $0x7  }
0x75: {  	[tilespmem:v2+s21+$0x0] =	vst.idx.add.f32.msk $0xffff, v1  }
0x76: {  	v2 =	vld [tilespmem:$0x27D0];
	_ =	sdelay $0x7  }
0x77: {  	[tilespmem:v2+s21+$0x0] =	vst.idx.add.f32.msk $0xffff, v1  }
0x78: {  	v2 =	vld [tilespmem:$0x27E0];
	_ =	sdelay $0x7  }
0x79: {  	[tilespmem:v2+s21+$0x0] =	vst.idx.add.f32.msk $0xffff, v1  }
0x7a: {  	_ =	swait.ge [sflag:s31], $0x1800  }
0x7b: {  	[sflag:s31] =	ssyncset.done $0x0  }
0x7c: {  	s30 =	simm.s32 $0xC0;
	[sflag:s31] =	ssyncadd.s32 $0xFFFFE800  }
0x7d: {  	[tilespmem:s19], [sflag:$0x2] =	stream.indirect.gather [hbm4b:s1+s18], $0x80, s30, s18, $0xb8;
	[tilespmem:$0x1FEC0] =	vst v63  }
.LBB2_6:
0x7e: {  	_ =	swait.ge [sflag:s20], $0x1800  }
0x7f: {  	s28 =	sshra.s32 s25, $0x2;
	[sflag:s20] =	ssyncset.done $0x0  }
0x80: {  	s30 =	sadd.s32 $0x27F0, s28;
	[sflag:s20] =	ssyncadd.s32 $0xFFFFE800  }
0x81: {  	[spmem:s3] =	stream.indirect.scatter.add.f32 [tilespmem:s17], [sflag:$0x4], $0x80, s30, s18, $0xb8;
	[tilespmem:$0x1FEC0] =	vst v63  }
0x82: {  	v2 =	vld [tilespmem:s28+$0x27F0];
	_ =	sdelay $0x7  }
0x83: {  	[tilespmem:v2+s21+$0x0] =	vst.idx.add.f32.msk $0xffff, v1  }
0x84: {  	v2 =	vld [tilespmem:s28+$0x2800];
	_ =	sdelay $0x7  }
0x85: {  	[tilespmem:v2+s21+$0x0] =	vst.idx.add.f32.msk $0xffff, v1  }
0x86: {  	v2 =	vld [tilespmem:s28+$0x2810];
	_ =	sdelay $0x7  }
0x87: {  	[tilespmem:v2+s21+$0x0] =	vst.idx.add.f32.msk $0xffff, v1  }
0x88: {  	_ =	swait.ge [sflag:s2], $0x1800  }
0x89: {  	[sflag:s2] =	ssyncset.done $0x0  }
0x8a: {  	s0 =	sadd.s32 $0xF0, s28;
	[sflag:s2] =	ssyncadd.s32 $0xFFFFE800  }
0x8b: {  	[tilespmem:s23], [sflag:$0x3] =	stream.indirect.gather [hbm4b:s1+s18], $0x80, s0, s18, $0xb8;
	[tilespmem:$0x1FEC0] =	vst v63  }
0x8c: {  	_ =	swait.ge [sflag:s24], $0x1800  }
0x8d: {  	[sflag:s24] =	ssyncset.done $0x0  }
0x8e: {  	s5 =	sadd.s32 $0x2820, s28;
	[sflag:s24] =	ssyncadd.s32 $0xFFFFE800  }
0x8f: {  	[spmem:s3] =	stream.indirect.scatter.add.f32 [tilespmem:s19], [sflag:$0x5], $0x80, s5, s18, $0xb8;
	[tilespmem:$0x1FEC0] =	vst v63  }
0x90: {  	v2 =	vld [tilespmem:s28+$0x2820];
	_ =	sdelay $0x7  }
0x91: {  	[tilespmem:v2+s21+$0x0] =	vst.idx.add.f32.msk $0xffff, v1  }
0x92: {  	v2 =	vld [tilespmem:s28+$0x2830];
	_ =	sdelay $0x7  }
0x93: {  	[tilespmem:v2+s21+$0x0] =	vst.idx.add.f32.msk $0xffff, v1  }
0x94: {  	v2 =	vld [tilespmem:s28+$0x2840];
	_ =	sdelay $0x7  }
0x95: {  	p0 =	seq.s32 s25, $0x9900;
	[tilespmem:v2+s21+$0x0] =	vst.idx.add.f32.msk $0xffff, v1  }
0x96: {  	s30 =	sshra.s32 @!p0 s25, $0x2;
	_ =	swait.ge [sflag:s26], $0x1800  }
0x97: {  	s30 =	sadd.s32 @!p0 $0x120, s30;
	[sflag:s26] =	ssyncset.done $0x0  }
0x98: {  	s0 =	simm.s32 @!p0 $0x30;
	s5 =	simm.s32 @!p0 $0x4EC0;
	[sflag:s26] =	ssyncadd.s32 $0xFFFFE800  }
0x99: {  	[tilespmem:s5], [sflag:$0x1] =	stream.indirect.gather @!p0 [hbm4b:s1+s0], $0x80, s30, s0, $0xb8;
	[tilespmem:$0x1FEC0] =	vst v63  }
0x9a: {  	_ =	swait.ge [sflag:s29], $0x1800  }
0x9b: {  	[sflag:s29] =	ssyncset.done $0x0  }
0x9c: {  	s30 =	sadd.s32 $0x2850, s28;
	[sflag:s29] =	ssyncadd.s32 $0xFFFFE800  }
0x9d: {  	[spmem:s3] =	stream.indirect.scatter.add.f32 [tilespmem:s23], [sflag:$0x6], $0x80, s30, s18, $0xb8;
	[tilespmem:$0x1FEC0] =	vst v63  }
0x9e: {  	v2 =	vld [tilespmem:s28+$0x2850];
	_ =	sdelay $0x7  }
0x9f: {  	[tilespmem:v2+s21+$0x0] =	vst.idx.add.f32.msk $0xffff, v1  }
0xa0: {  	v2 =	vld [tilespmem:s28+$0x2860];
	_ =	sdelay $0x7  }
0xa1: {  	[tilespmem:v2+s21+$0x0] =	vst.idx.add.f32.msk $0xffff, v1  }
0xa2: {  	v2 =	vld [tilespmem:s28+$0x2870];
	_ =	sdelay $0x6  }
.Ltmp4:
0xa3: {  	_ = 	snop;
	(pc) =	sbr.rel @p0 .LBB2_8-.Ltmp4, $4  }
0xa4: {  	[tilespmem:v2+s21+$0x0] =	vst.idx.add.f32.msk $0xffff, v1  }
0xa5: {  	_ =	swait.ge [sflag:s31], $0x1800  }
0xa6: {  	[sflag:s31] =	ssyncset.done $0x0  }
0xa7: {  	[sflag:s31] =	ssyncadd.s32 $0xFFFFE800  }
.Ltmp5:
0xa8: {  	(pc) =	sbr.rel .LBB2_6-.Ltmp5, $3  }
0xa9: {  	_ =	sdelay $0x1  }
0xaa: {  	s0 =	sadd.s32 $0x150, s28;
	s25 =	sadd.s32 $0x240, s25  }
0xab: {  	[tilespmem:s19], [sflag:$0x2] =	stream.indirect.gather [hbm4b:s1+s18], $0x80, s0, s18, $0xb8;
	[tilespmem:$0x1FEC0] =	vst v63  }
.LBB2_9:
0xac: {  	_ =	sfence.sel $0x180000  }
0xad: {  	[bflag:$0x0] =	sbarrier.arrive $0xFFFF  }
0xae: {  	_ =	strace $0x90000047  }
0xaf: {  	s0 =	stileid.u32;
	[bflag:$0x2] =	sbarrier.arrive $0xFFFF  }
0xb0: {  	p0 =	sne.s32 s0, $0x0;
	s0 =	rddreg [dreg:$0x4]  }
0xb1: {  	s0 =	sadd.s32 @!p0 $0x100000, s0  }
0xb2: {  	[sflag:s0] =	ssyncadd.tile.s32 @!p0 $0x1;
	_ =	shalt  }
.Lfunc_end2:
_tile_overlayer_lowered:
.L_overlay_start_2:
0xb3: {  	(tag) =	ssettag $0x2  }
0xb4: {  	s0 =	rddreg [dreg:$0x0];
	s2 =	stileid.u32  }
0xb5: {  	s1 =	rddreg [dreg:$0x1];
	p0 =	sne.s32 s2, $0x0  }
0xb6: {  	s3 =	rddreg [dreg:$0x2];
	[bflag:$0x3] =	sbarrier.arrive $0xFFFF;
	s2 =	simm.s32 @!p0 $0x1C07  }
0xb7: {  	[timem:s3], [sflag:s2] =	dma.local @!p0 [hbm:s0], s1  }
0xb8: {  	s0 =	simm.s32 @!p0 $0x7  }
0xb9: {  	_ =	swait.ge @!p0 [sflag:s0], s1  }
0xba: {  	s1 =	ssub.s32 @!p0 $0x0, s1;
	[sflag:s0] =	ssyncset.done @!p0 $0x0  }
0xbb: {  	[sflag:s0] =	ssyncadd.s32 @!p0 s1  }
0xbc: {  	[bflag:$0x3] =	sbarrier.arrive $0xFFFF  }
0xbd: {  	_ =	shalt  }

// kernel: kernel.9.cloned.1.call-start
scs
__scs_entry_jumppad:
0x0: {  	(pc) =	sbr.rel $0x88, $3  }
0x1: {  	(tag) =	ssettag $0x0;
	lr =	simm.s32 $0x1  }
0x2: {  	[smem:$0x3F9B] =	sst lr;
	_ =	strace $0xD0000000  }
0x3: {  	_ = 	snop  }
0x4: {  	_ = 	snop  }
0x5: {  	_ = 	snop  }
0x6: {  	_ = 	snop  }
0x7: {  	_ = 	snop  }
__scs_overlays_trampoline_lowered:
0x8: {  	[smem:$0x3FAA] =	sst s0  }
0x9: {  	[smem:$0x3FAB] =	sst s1  }
0xa: {  	[smem:$0x3FAC] =	sst s2  }
0xb: {  	[smem:$0x3FAD] =	sst s3  }
0xc: {  	[smem:$0x3FAE] =	sst s4  }
0xd: {  	[smem:$0x3FAF] =	sst s5  }
0xe: {  	[smem:$0x3FB0] =	sst s6  }
0xf: {  	[smem:$0x3FB1] =	sst s7  }
0x10: {  	[smem:$0x3FB2] =	sst s8  }
0x11: {  	[smem:$0x3FB3] =	sst s9;
	s0 =	simm.s32 @!p0 $0x0  }
0x12: {  	s1 =	sld [smem:$0x3F99];
	s0 =	simm.s32 @p0 $0x1  }
0x13: {  	[smem:$0x3FB4] =	sst s0;
	s0 =	simm.s32 @!p1 $0x0  }
0x14: {  	s2 =	sld [smem:$0x3F98];
	s0 =	simm.s32 @p1 $0x1  }
0x15: {  	[smem:$0x3FB5] =	sst s0;
	s0 =	simm.s32 @!p2 $0x0  }
0x16: {  	s3 =	sld [smem:$0x3FDB];
	s0 =	simm.s32 @p2 $0x1  }
0x17: {  	s4 =	simm.s32 $0x1BF5;
	[smem:$0x3FB7] =	sst s0  }
0x18: {  	s0 =	sld [smem:$0x3F9A];
	_ =	swait.ge [sflag:s4], $0x0  }
0x19: {  	s7 =	sld [smem:$0x3F9B]  }
0x1a: {  	s8 =	sadd.s32 $0xFFFFE003, lr  }
0x1b: {  	s9 =	sadd.s32 $0xFFFFFEF7, lr;
	s5 =	simm.s32 $0xFFFFFFFF;
	p2 =	slt.u32 s8, $0xFFFFF086  }
0x1c: {  	p1 =	slt.u32 s9, $0xF7A;
	s5 =	simm.s32 @!p2 $0x0  }
0x1d: {  	s5 =	simm.s32 @p1 $0x1;
	p0 =	seq.s32 s7, s2  }
0x1e: {  	s7 =	smul.u32 @!p0 $0xF7A, s2;
	p2 =	seq.s32 @!p0 s5, $0x0  }
0x1f: {  	s9 =	smul.u32 $0xF7A, s1;
	s8 =	simm.s32 @!p0 $0x1BF5;
	p2 =	por !p2, p0  }
0x20: {  	[sflag:s8] =	ssyncset.s32 @!p0 $0xFFFFF086;
	s6 =	sadd.s32 @!p0 s3, s7;
	s7 =	simm.s32 @!p0 $0x108  }
0x21: {  	s3 =	sadd.s32 s3, s9;
	s6 =	sadd.s32 @!p0 $0x88, s6;
	s7 =	simm.s32 @p2 $0x1082  }
0x22: {  	[simem:s7], [sflag:s8] =	dma.local @!p0 [hbm:s6], $0xF7A  }
0x23: {  	s9 =	sor.u32 $0xD0000000, s2;
	s6 =	simm.s32 $0x108;
	_ =	swait.ge @!p0 [sflag:s8], $0x0  }
0x24: {  	s3 =	sadd.s32 $0x88, s3;
	s6 =	simm.s32 @!p1 $0x1082;
	[sflag:s4] =	ssyncset.s32 $0xFFFFF086  }
0x25: {  	[simem:s6], [sflag:s4] =	dma.local [hbm:s3], $0xF7A  }
0x26: {  	[smem:$0x3F9B] =	sst s1;
	(tag) =	ssettag s2;
	_ =	strace s9  }
0x27: {  	s1 =	sld [smem:$0x3FAB]  }
0x28: {  	s2 =	sld [smem:$0x3FAC]  }
0x29: {  	s4 =	sld [smem:$0x3FAE]  }
0x2a: {  	p0 =	seq.s32 s5, $0x0;
	s5 =	sld [smem:$0x3FAF]  }
0x2b: {  	s6 =	sld [smem:$0x3FB0]  }
0x2c: {  	s7 =	sld [smem:$0x3FB1]  }
0x2d: {  	s3 =	simm.s32 $0x108;
	s8 =	sld [smem:$0x3FB2]  }
0x2e: {  	s3 =	simm.s32 @!p0 $0x1082;
	s9 =	sld [smem:$0x3FB3]  }
0x2f: {  	lr =	sadd.s32 s0, s3;
	s0 =	sld [smem:$0x3FAA]  }
0x30: {  	s3 =	sld [smem:$0x3FAD]  }
0x31: {  	[smem:$0x3FB6] =	sst s10  }
0x32: {  	s10 =	sld [smem:$0x3FB4];
	_ =	sdelay $0x3  }
0x33: {  	p0 =	seq.s32 s10, $0x1;
	s10 =	sld [smem:$0x3FB6];
	_ =	sdelay $0x3  }
0x34: {  	[smem:$0x3FB6] =	sst s10  }
0x35: {  	s10 =	sld [smem:$0x3FB5];
	_ =	sdelay $0x3  }
0x36: {  	p1 =	seq.s32 s10, $0x1;
	s10 =	sld [smem:$0x3FB6];
	_ =	sdelay $0x3  }
0x37: {  	[smem:$0x3FB6] =	sst s10  }
0x38: {  	s10 =	sld [smem:$0x3FB7]  }
0x39: {  	_ = 	snop;
	(pc) =	sbr.ind lr, $3  }
0x3a: {  	_ = 	snop  }
0x3b: {  	_ = 	snop  }
0x3c: {  	p2 =	seq.s32 s10, $0x1;
	s10 =	sld [smem:$0x3FB6]  }
0x3d: {  	_ =	shalt  }
0x3e: {  	_ =	shalt  }
0x3f: {  	_ =	shalt  }
0x40: {  	_ =	shalt  }
0x41: {  	_ =	shalt  }
0x42: {  	_ =	shalt  }
0x43: {  	_ =	shalt  }
0x44: {  	_ =	shalt  }
0x45: {  	_ =	shalt  }
0x46: {  	_ =	shalt  }
0x47: {  	_ =	shalt  }
0x48: {  	_ =	shalt  }
0x49: {  	_ =	shalt  }
0x4a: {  	_ =	shalt  }
0x4b: {  	_ =	shalt  }
0x4c: {  	_ =	shalt  }
0x4d: {  	_ =	shalt  }
0x4e: {  	_ =	shalt  }
0x4f: {  	_ =	shalt  }
0x50: {  	_ =	shalt  }
0x51: {  	_ =	shalt  }
0x52: {  	_ =	shalt  }
0x53: {  	_ =	shalt  }
0x54: {  	_ =	shalt  }
0x55: {  	_ =	shalt  }
0x56: {  	_ =	shalt  }
0x57: {  	_ =	shalt  }
0x58: {  	_ =	shalt  }
0x59: {  	_ =	shalt  }
0x5a: {  	_ =	shalt  }
0x5b: {  	_ =	shalt  }
0x5c: {  	_ =	shalt  }
0x5d: {  	_ =	shalt  }
0x5e: {  	_ =	shalt  }
0x5f: {  	_ =	shalt  }
0x60: {  	_ =	shalt  }
0x61: {  	_ =	shalt  }
0x62: {  	_ =	shalt  }
0x63: {  	_ =	shalt  }
0x64: {  	_ =	shalt  }
0x65: {  	_ =	shalt  }
0x66: {  	_ =	shalt  }
0x67: {  	_ =	shalt  }
0x68: {  	_ =	shalt  }
0x69: {  	_ =	shalt  }
0x6a: {  	_ =	shalt  }
0x6b: {  	_ =	shalt  }
0x6c: {  	_ =	shalt  }
0x6d: {  	_ =	shalt  }
0x6e: {  	_ =	shalt  }
0x6f: {  	_ =	shalt  }
0x70: {  	_ =	shalt  }
0x71: {  	_ =	shalt  }
0x72: {  	_ =	shalt  }
0x73: {  	_ =	shalt  }
0x74: {  	_ =	shalt  }
0x75: {  	_ =	shalt  }
0x76: {  	_ =	shalt  }
0x77: {  	_ =	shalt  }
0x78: {  	_ =	shalt  }
0x79: {  	_ =	shalt  }
0x7a: {  	_ =	shalt  }
0x7b: {  	_ =	shalt  }
0x7c: {  	_ =	shalt  }
0x7d: {  	_ =	shalt  }
0x7e: {  	_ =	shalt  }
0x7f: {  	_ =	shalt  }
0x80: {  	_ =	shalt  }
0x81: {  	_ =	shalt  }
0x82: {  	_ =	shalt  }
0x83: {  	_ =	shalt  }
0x84: {  	_ =	shalt  }
0x85: {  	_ =	shalt  }
0x86: {  	_ =	shalt  }
0x87: {  	_ =	shalt  }
.Lfunc_end0:
.L_simem_size_0:
called_computation.1_lowered:
.L_overlay_start_0:
0x88: {  	s2 =	sld [smem:$0x3FD9]  }
0x89: {  	s3 =	sld [smem:$0x3FFE];
	_ =	sdelay $0x1  }
0x8a: {  	s1 =	srdreg.scid  }
0x8b: {  	s0 =	sand.u32 $0x1, s1  }
0x8c: {  	s16 =	sshll.u32 s0, $0xA;
	s2 =	sadd.s32 s3, s2  }
0x8d: {  	s2 =	sadd.s32 s2, s16  }
0x8e: {  	[smem:$0x3FC2] =	sst s2  }
0x8f: {  	_ = 	snop  }
0x90: {  	(tm) =	ssettm $0x1  }
0x91: {  	s17 =	sld [smem:$0x3FFB];
	_ =	sdelay $0x3  }
0x92: {  	_ =	strace s17  }
0x93: {  	s2 =	sld [smem:$0x3FFC];
	_ =	sdelay $0x3  }
0x94: {  	_ =	strace s2  }
0x95: {  	s2 =	sld [smem:$0x3FFD];
	_ =	sdelay $0x3  }
0x96: {  	_ =	strace s2  }
0x97: {  	_ =	strace $0x8FFFFFFF  }
0x98: {  	s18 =	sld [smem:$0x3FDB];
	_ =	sdelay $0x1  }
0x99: {  	s19 =	simm.s32 $_scs_section_size  }
0x9a: {  	s4 =	simm.s32 $_size__tile_overlayer_lowered;
	s5 =	simm.s32 $_tile_overlayer_lowered  }
0x9b: {  	s22 =	simm.s32 $0x1BFF;
	s21 =	sshll.u32 s5, $0x1;
	s2 =	sadd.s32 s19, s18  }
0x9c: {  	s6 =	simm.s32 $0x0;
	s20 =	sshll.u32 s4, $0x1;
	s4 =	sadd.s32 s21, s2  }
0x9d: {  	[timem:s6], [sflag:s22] =	dma.local [hbm:s4], s20  }
0x9e: {  	_ =	swait.ge [sflag:s22], s20  }
0x9f: {  	s3 =	ssub.s32 $0x0, s20;
	[sflag:s22] =	ssyncset.done $0x0  }
0xa0: {  	[sflag:s22] =	ssyncadd.s32 s3;
	_ =	sdelay $0x1  }
0xa1: {  	s23 =	simm.s32 $0x1B8B  }
0xa2: {  	_ =	swait.ge [sflag:s23], $0x1  }
0xa3: {  	[sflag:s23] =	ssyncset.done $0x0  }
0xa4: {  	s25 =	simm.s32 $0x1B8E;
	s24 =	sld [smem:$0x3FFE];
	[sflag:s23] =	ssyncadd.s32 $0xFFFFFFFF  }
0xa5: {  	s26 =	simm.s32 $execute0_lowered;
	[smem:$0x3FD2] =	sst s25  }
0xa6: {  	s4 =	sshll.u32 s26, $0x1;
	_ =	strace $0x80000049;
	[dreg:$0x1] =	wrdreg $0xFFFFFFFF  }
0xa7: {  	s28 =	simm.s32 $_size_execute0_lowered;
	s2 =	sadd.s32 s2, s4;
	[dreg:$0x0] =	wrdreg $0x0  }
0xa8: {  	s4 =	sshll.u32 s28, $0x1;
	[dreg:$0x2] =	wrdreg s2  }
0xa9: {  	[dreg:$0x3] =	wrdreg s4  }
0xaa: {  	[dreg:$0x4] =	wrdreg $0xC0  }
0xab: {  	_ =	task [dreg:s6], $0x5FFFF  }
0xac: {  	[dreg:$0x1] =	wrdreg $0xFFFFFFFF  }
0xad: {  	[dreg:$0x0] =	wrdreg $0x60  }
0xae: {  	[dreg:$0x2] =	wrdreg s24  }
0xaf: {  	[dreg:$0x3] =	wrdreg $0x96C00  }
0xb0: {  	[dreg:$0x4] =	wrdreg $0x9  }
0xb1: {  	_ =	task.clear_ibuf [dreg:s6], $0x5FFFF;
	_ =	strace $0x90000049  }
0xb2: {  	s29 =	simm.s32 $0x9;
	_ =	strace $0x8000004B  }
0xb3: {  	_ =	swait.ge [sflag:s29], $0x1  }
0xb4: {  	[sflag:s29] =	ssyncadd.s32 $0xFFFFFFFF  }
0xb5: {  	_ =	strace $0x9000004B  }
0xb6: {  	_ =	sfence  }
0xb7: {  	s30 =	sld [smem:$0x0];
	_ =	sdelay $0x2  }
0xb8: {  	s31 =	sshll.u32 s1, $0xD;
	s1 =	sshrl.u32 s1, $0x2  }
0xb9: {  	s3 =	sand.u32 $0x4000, s31;
	s1 =	sadd.s32 s1, s30  }
0xba: {  	s0 =	sor.u32 s3, s0;
	s1 =	sshll.u32 s1, $0x11  }
0xbb: {  	s0 =	sor.u32 s1, s0  }
0xbc: {  	s0 =	sadd.s32 $0x8F2B, s0  }
0xbd: {  	[sflag:s0] =	ssyncadd.remote.s32 $0x1  }
0xbe: {  	_ =	sfence.sel $0xFFFF  }
0xbf: {  	[dreg:$0x0] =	wrdreg $0xFFFFFFFF;
	(pc) =	sbr.abs _section_cstart, $3  }
0xc0: {  	[dreg:$0x1] =	wrdreg $0xFFFFFFFF  }
0xc1: {  	_ =	task.clear_ibuf [dreg:s6], $0x2FFFF;
	_ =	strace $0x9FFFFFFF  }
0xc2: {  	(tm) =	ssettm $0x7FFFFFFF  }
0xc3: {  	_ =	shalt  }
tec
execute0_lowered:
.L_overlay_start_1:
0x0: {  	(tag) =	ssettag $0x1  }
0x1: {  	s0 =	rddreg [dreg:$0x0]  }
0x2: {  	s2 =	rddreg [dreg:$0x1]  }
0x3: {  	s1 =	srdreg.scid;
	s8 =	stileid.u32  }
0x4: {  	s3 =	simm.s32 $0x0;
	s14 =	simm.s32 $0x7;
	s15 =	simm.s32 $0x2760  }
0x5: {  	s16 =	simm.s32 $0x4EC0;
	s17 =	simm.s32 $0x30;
	s18 =	simm.s32 $0x66C0  }
0x6: {  	s19 =	simm.s32 $0x1;
	s21 =	simm.s32 $0x7EC0;
	s22 =	simm.s32 $0x2  }
0x7: {  	s24 =	simm.s32 $0x4;
	s28 =	simm.s32 $0x27C0;
	s29 =	simm.s32 $0x5  }
0x8: {  	s30 =	simm.s32 $0xC0;
	s31 =	simm.s32 $0x6;
	s1 =	sand.u32 $0x1, s1  }
0x9: {  	s7 =	smul.u32 $0x14000, s8;
	[smem:$0x7FF] =	sst s3;
	s4 =	sshll.u32 s1, $0x4  }
0xa: {  	s5 =	smul.u32 $0x140000, s1;
	_ =	strace $0x8000004A;
	s1 =	ssub.s32 $0x2, s1  }
0xb: {  	s6 =	sor.u32 s8, s4;
	s4 =	sadd.s32 $0x15000, s0;
	s8 =	smul.u32 $0x50000, s8  }
0xc: {  	s26 =	sshrl.u32 s1, $0x1;
	s6 =	smul.u32 $0x4EC, s6;
	s5 =	sadd.s32 s7, s5  }
0xd: {  	s1 =	ssub.s32 s1, s26;
	s7 =	sadd.s32 s7, s2;
	s26 =	simm.s32 $0x3  }
.Ltmp0:
0xe: {  	s5 =	sshrl.u32 s5, $0x3;
	s8 =	sshrl.u32 s8, $0x2;
	(pc) =	sbr.rel .LBB2_1-.Ltmp0, $4  }
0xf: {  	s13 =	smax.u32 s1, $0x1;
	s6 =	sadd.s32 s6, s0;
	s0 =	sadd.s32 s5, s0  }
0x10: {  	s11 =	sadd.s32 s8, s2;
	s5 =	sadd.s32 $0x1400, s6;
	s6 =	sadd.s32 $0xB200, s6  }
0x11: {  	s8 =	sadd.s32 $0x4000, s11;
	s9 =	sadd.s32 $0x8000, s11;
	s10 =	sadd.s32 $0xC000, s11  }
0x12: {  	v0 =	vimm.f32 $0.0e+00;
	s11 =	sadd.s32 $0x10000, s11;
	s12 =	sadd.s32 $0x3D000, s0;
	s0 =	simm.s32 $0x0  }
.LBB2_6:
0x13: {  	_ =	swait.ge [sflag:s26], $0x1800  }
0x14: {  	[sflag:s26] =	ssyncset.done $0x0  }
0x15: {  	[sflag:s26] =	ssyncadd.s32 $0xFFFFE800  }
0x16: {  	[spmem:s2] =	stream.indirect.scatter.add.f32 [tilespmem:s21], [sflag:$0x6], $0x80, s23, s17, $0xb8;
	[tilespmem:$0x1D6C0] =	vst v63  }
0x17: {  	_ =	swait.ge [sflag:s29], $0x1800  }
0x18: {  	[sflag:s29] =	ssyncset.done $0x0  }
0x19: {  	[sflag:s29] =	ssyncadd.s32 $0xFFFFE800  }
0x1a: {  	s1 =	stileid.u32;
	_ =	swait.ge [sflag:s31], $0x1800  }
0x1b: {  	s20 =	sshrl.u32 s7, $0x3;
	s0 =	sadd.s32 $0x1, s0;
	[sflag:s31] =	ssyncset.done $0x0  }
0x1c: {  	s1 =	sshll.u32 s1, $0x6;
	p0 =	sne.s32 s0, s13;
	[sflag:s31] =	ssyncadd.s32 $0xFFFFE800  }
.Ltmp1:
0x1d: {  	s1 =	sor.u32 $0x1C07, s1;
	[bflag:$0x0] =	sbarrier.arrive $0xFFFF;
	(pc) =	sbr.rel @!p0 .LBB2_7-.Ltmp1, $4  }
0x1e: {  	[hbm:s12], [sflag:s1] =	dma.local [spmem:s20], $0x2800  }
0x1f: {  	_ =	swait.ge [sflag:s14], $0x2800  }
0x20: {  	[sflag:s14] =	ssyncset.done $0x0  }
0x21: {  	[sflag:s14] =	ssyncadd.s32 $0xFFFFD800  }
.LBB2_1:
0x22: {  	[tilespmem:s3], [sflag:$0x7] =	stream.linear.gather [hbm4b:s5+s3], $0x2760, $0x38;
	[tilespmem:$0x1D6C0] =	vst v63  }
0x23: {  	_ =	swait.ge [sflag:s14], $0x2760  }
0x24: {  	[sflag:s14] =	ssyncset.done $0x0  }
0x25: {  	[sflag:s14] =	ssyncadd.s32 $0xFFFFD8A0  }
0x26: {  	[tilespmem:s15], [sflag:$0x7] =	stream.linear.gather [hbm4b:s6+s3], $0x2760, $0x38;
	[tilespmem:$0x1D6C0] =	vst v63  }
0x27: {  	_ =	swait.ge [sflag:s14], $0x2760  }
0x28: {  	[sflag:s14] =	ssyncset.done $0x0  }
0x29: {  	s1 =	simm.s32 $0x0;
	s20 =	simm.s32 $0x200;
	[sflag:s14] =	ssyncadd.s32 $0xFFFFD8A0  }
.LBB2_2:
0x2a: {  	p0 =	sne.s32 s20, $0x11E00;
	[tilespmem:s1+$0x4F30] =	vst v0  }
0x2b: {  	[tilespmem:s1+$0x4EC0] =	vst v0  }
0x2c: {  	[tilespmem:s1+$0x4ED0] =	vst v0  }
.Ltmp2:
0x2d: {  	[tilespmem:s1+$0x4EE0] =	vst v0;
	(pc) =	sbr.rel @p0 .LBB2_2-.Ltmp2, $4  }
0x2e: {  	[tilespmem:s1+$0x4EF0] =	vst v0  }
0x2f: {  	[tilespmem:s1+$0x4F00] =	vst v0  }
0x30: {  	[tilespmem:s1+$0x4F10] =	vst v0  }
0x31: {  	[tilespmem:s1+$0x4F20] =	vst v0;
	s1 =	sshra.s32 s20, $0x2;
	s20 =	sadd.s32 $0x200, s20  }
0x32: {  	[tilespmem:s1+$0x4F30] =	vst v0  }
0x33: {  	[tilespmem:s1+$0x4EC0] =	vst v0  }
0x34: {  	[tilespmem:s1+$0x4ED0] =	vst v0  }
0x35: {  	[tilespmem:s1+$0x4EE0] =	vst v0  }
0x36: {  	[tilespmem:s1+$0x4EF0] =	vst v0  }
0x37: {  	[tilespmem:s1+$0x4F00] =	vst v0  }
0x38: {  	[tilespmem:s1+$0x4F10] =	vst v0  }
0x39: {  	[tilespmem:s1+$0x4F20] =	vst v0  }
0x3a: {  	[spmem:s7] =	stream.linear.scatter [tilespmem:s16], [sflag:$0x7], $0x4000, $0x38;
	[tilespmem:$0x1D6C0] =	vst v63  }
0x3b: {  	_ =	swait.ge [sflag:s14], $0x4000  }
0x3c: {  	[sflag:s14] =	ssyncset.done $0x0  }
0x3d: {  	[sflag:s14] =	ssyncadd.s32 $0xFFFFC000  }
0x3e: {  	[spmem:s8] =	stream.linear.scatter [tilespmem:s16], [sflag:$0x7], $0x4000, $0x38;
	[tilespmem:$0x1D6C0] =	vst v63  }
0x3f: {  	_ =	swait.ge [sflag:s14], $0x4000  }
0x40: {  	[sflag:s14] =	ssyncset.done $0x0  }
0x41: {  	[sflag:s14] =	ssyncadd.s32 $0xFFFFC000  }
0x42: {  	[spmem:s9] =	stream.linear.scatter [tilespmem:s16], [sflag:$0x7], $0x4000, $0x38;
	[tilespmem:$0x1D6C0] =	vst v63  }
0x43: {  	_ =	swait.ge [sflag:s14], $0x4000  }
0x44: {  	[sflag:s14] =	ssyncset.done $0x0  }
0x45: {  	[sflag:s14] =	ssyncadd.s32 $0xFFFFC000  }
0x46: {  	[spmem:s10] =	stream.linear.scatter [tilespmem:s16], [sflag:$0x7], $0x4000, $0x38;
	[tilespmem:$0x1D6C0] =	vst v63  }
0x47: {  	_ =	swait.ge [sflag:s14], $0x4000  }
0x48: {  	[sflag:s14] =	ssyncset.done $0x0  }
0x49: {  	[sflag:s14] =	ssyncadd.s32 $0xFFFFC000  }
0x4a: {  	[spmem:s11] =	stream.linear.scatter [tilespmem:s16], [sflag:$0x7], $0x4000, $0x38;
	[tilespmem:$0x1D6C0] =	vst v63  }
0x4b: {  	_ =	swait.ge [sflag:s14], $0x4000  }
0x4c: {  	[sflag:s14] =	ssyncset.done $0x0  }
0x4d: {  	[sflag:s14] =	ssyncadd.s32 $0xFFFFC000  }
0x4e: {  	s1 =	simm.s32 $0x0;
	[bflag:$0x0] =	sbarrier.arrive $0xFFFF  }
0x4f: {  	[tilespmem:s16], [sflag:$0x1] =	stream.indirect.gather [hbm4b:s4+s17], $0x80, s1, s17, $0xb8;
	[tilespmem:$0x1D6C0] =	vst v63  }
0x50: {  	_ = 	snop  }
0x51: {  	[tilespmem:s18], [sflag:$0x2] =	stream.indirect.gather [hbm4b:s4+s17], $0x80, s17, s17, $0xb8;
	[tilespmem:$0x1D6C0] =	vst v63  }
0x52: {  	_ =	swait.ge [sflag:s19], $0x1800  }
0x53: {  	[sflag:s19] =	ssyncset.done $0x0  }
0x54: {  	[sflag:s19] =	ssyncadd.s32 $0xFFFFE800  }
0x55: {  	[spmem:s2] =	stream.indirect.scatter.add.f32 [tilespmem:s16], [sflag:$0x4], $0x80, s15, s17, $0xb8;
	[tilespmem:$0x1D6C0] =	vst v63  }
0x56: {  	s20 =	simm.s32 $0x60  }
0x57: {  	[tilespmem:s21], [sflag:$0x3] =	stream.indirect.gather [hbm4b:s4+s17], $0x80, s20, s17, $0xb8;
	[tilespmem:$0x1D6C0] =	vst v63  }
0x58: {  	_ =	swait.ge [sflag:s22], $0x1800  }
0x59: {  	[sflag:s22] =	ssyncset.done $0x0  }
0x5a: {  	s23 =	simm.s32 $0x2790;
	[sflag:s22] =	ssyncadd.s32 $0xFFFFE800  }
0x5b: {  	[spmem:s2] =	stream.indirect.scatter.add.f32 [tilespmem:s18], [sflag:$0x5], $0x80, s23, s17, $0xb8;
	[tilespmem:$0x1D6C0] =	vst v63  }
0x5c: {  	_ =	swait.ge [sflag:s24], $0x1800  }
0x5d: {  	[sflag:s24] =	ssyncset.done $0x0  }
0x5e: {  	s25 =	simm.s32 $0x90;
	[sflag:s24] =	ssyncadd.s32 $0xFFFFE800  }
0x5f: {  	[tilespmem:s16], [sflag:$0x1] =	stream.indirect.gather [hbm4b:s4+s17], $0x80, s25, s17, $0xb8;
	[tilespmem:$0x1D6C0] =	vst v63  }
0x60: {  	_ =	swait.ge [sflag:s26], $0x1800  }
0x61: {  	[sflag:s26] =	ssyncset.done $0x0  }
0x62: {  	[sflag:s26] =	ssyncadd.s32 $0xFFFFE800  }
0x63: {  	[spmem:s2] =	stream.indirect.scatter.add.f32 [tilespmem:s21], [sflag:$0x6], $0x80, s28, s17, $0xb8;
	[tilespmem:$0x1D6C0] =	vst v63  }
0x64: {  	_ =	swait.ge [sflag:s29], $0x1800  }
0x65: {  	[sflag:s29] =	ssyncset.done $0x0  }
0x66: {  	[sflag:s29] =	ssyncadd.s32 $0xFFFFE800  }
0x67: {  	[tilespmem:s18], [sflag:$0x2] =	stream.indirect.gather [hbm4b:s4+s17], $0x80, s30, s17, $0xb8;
	[tilespmem:$0x1D6C0] =	vst v63  }
.LBB2_4:
0x68: {  	_ =	swait.ge [sflag:s19], $0x1800  }
0x69: {  	s20 =	sshra.s32 s1, $0x2;
	[sflag:s19] =	ssyncset.done $0x0  }
0x6a: {  	s23 =	sadd.s32 $0x27F0, s20;
	[sflag:s19] =	ssyncadd.s32 $0xFFFFE800  }
0x6b: {  	[spmem:s2] =	stream.indirect.scatter.add.f32 [tilespmem:s16], [sflag:$0x4], $0x80, s23, s17, $0xb8;
	[tilespmem:$0x1D6C0] =	vst v63  }
0x6c: {  	_ =	swait.ge [sflag:s31], $0x1800  }
0x6d: {  	[sflag:s31] =	ssyncset.done $0x0  }
0x6e: {  	s25 =	sadd.s32 $0xF0, s20;
	[sflag:s31] =	ssyncadd.s32 $0xFFFFE800  }
0x6f: {  	[tilespmem:s21], [sflag:$0x3] =	stream.indirect.gather [hbm4b:s4+s17], $0x80, s25, s17, $0xb8;
	[tilespmem:$0x1D6C0] =	vst v63  }
0x70: {  	_ =	swait.ge [sflag:s22], $0x1800  }
0x71: {  	p0 =	seq.s32 s1, $0x9900;
	[sflag:s22] =	ssyncset.done $0x0  }
.Ltmp3:
0x72: {  	s25 =	sadd.s32 $0x2820, s20;
	[sflag:s22] =	ssyncadd.s32 $0xFFFFE800;
	(pc) =	sbr.rel @p0 .LBB2_6-.Ltmp3, $4  }
0x73: {  	[spmem:s2] =	stream.indirect.scatter.add.f32 [tilespmem:s18], [sflag:$0x5], $0x80, s25, s17, $0xb8;
	[tilespmem:$0x1D6C0] =	vst v63  }
0x74: {  	_ =	swait.ge [sflag:s24], $0x1800  }
0x75: {  	[sflag:s24] =	ssyncset.done $0x0  }
0x76: {  	s23 =	sadd.s32 $0x2850, s20;
	[sflag:s24] =	ssyncadd.s32 $0xFFFFE800  }
0x77: {  	s25 =	sadd.s32 $0x120, s20  }
0x78: {  	[tilespmem:s16], [sflag:$0x1] =	stream.indirect.gather [hbm4b:s4+s17], $0x80, s25, s17, $0xb8;
	[tilespmem:$0x1D6C0] =	vst v63  }
0x79: {  	_ =	swait.ge [sflag:s26], $0x1800  }
0x7a: {  	[sflag:s26] =	ssyncset.done $0x0  }
0x7b: {  	[sflag:s26] =	ssyncadd.s32 $0xFFFFE800  }
0x7c: {  	[spmem:s2] =	stream.indirect.scatter.add.f32 [tilespmem:s21], [sflag:$0x6], $0x80, s23, s17, $0xb8;
	[tilespmem:$0x1D6C0] =	vst v63  }
.Ltmp4:
0x7d: {  	_ = 	snop;
	(pc) =	sbr.rel .LBB2_4-.Ltmp4, $4  }
0x7e: {  	_ =	swait.ge [sflag:s29], $0x1800  }
0x7f: {  	[sflag:s29] =	ssyncset.done $0x0  }
0x80: {  	s1 =	sadd.s32 $0x240, s1;
	s25 =	sadd.s32 $0x150, s20;
	[sflag:s29] =	ssyncadd.s32 $0xFFFFE800  }
0x81: {  	[tilespmem:s18], [sflag:$0x2] =	stream.indirect.gather [hbm4b:s4+s17], $0x80, s25, s17, $0xb8;
	[tilespmem:$0x1D6C0] =	vst v63  }
.LBB2_7:
0x82: {  	_ =	sfence.sel $0x180000  }
0x83: {  	[bflag:$0x0] =	sbarrier.arrive $0xFFFF  }
0x84: {  	_ =	strace $0x9000004A  }
0x85: {  	s0 =	stileid.u32;
	[bflag:$0x2] =	sbarrier.arrive $0xFFFF  }
0x86: {  	p0 =	sne.s32 s0, $0x0;
	s0 =	rddreg [dreg:$0x2]  }
0x87: {  	s0 =	sadd.s32 @!p0 $0x100000, s0  }
0x88: {  	[sflag:s0] =	ssyncadd.tile.s32 @!p0 $0x1;
	_ =	shalt  }
.Lfunc_end2:
_tile_overlayer_lowered:
.L_overlay_start_2:
0x89: {  	(tag) =	ssettag $0x2  }
0x8a: {  	s0 =	rddreg [dreg:$0x0];
	s2 =	stileid.u32  }
0x8b: {  	s1 =	rddreg [dreg:$0x1];
	p0 =	sne.s32 s2, $0x0  }
0x8c: {  	s3 =	rddreg [dreg:$0x2];
	[bflag:$0x3] =	sbarrier.arrive $0xFFFF;
	s2 =	simm.s32 @!p0 $0x1C07  }
0x8d: {  	[timem:s3], [sflag:s2] =	dma.local @!p0 [hbm:s0], s1  }
0x8e: {  	s0 =	simm.s32 @!p0 $0x7  }
0x8f: {  	_ =	swait.ge @!p0 [sflag:s0], s1  }
0x90: {  	s1 =	ssub.s32 @!p0 $0x0, s1;
	[sflag:s0] =	ssyncset.done @!p0 $0x0  }
0x91: {  	[sflag:s0] =	ssyncadd.s32 @!p0 s1  }
0x92: {  	[bflag:$0x3] =	sbarrier.arrive $0xFFFF  }
0x93: {  	_ =	shalt  }

</sc_bundles>
